<compile_context>
chip_gen: v7x
topology: tpu7x:2x2x1
jax: 0.10.2.dev20260603
libtpu: 0.0.44.dev20260713+nightly
codegen_flags: <defaults>
</compile_context>

<pallas_src>
import functools

import jax
import jax.numpy as jnp
from jax import lax
from jax.experimental import pallas as pl
from jax.experimental.pallas import tpu as pltpu
from jax.experimental.pallas import tpu_sc as plsc

_NC = 2
_NS = 16
_SEQ = 2048
_D = 64
_KPW = 8
_JW = 1024
_NKG = _D // _KPW
_NJW = _SEQ // _JW
_ROWS_PER_CORE = _SEQ // _NC
_NBUF = 4


def _gather_t(idx, table_t):
    mesh = plsc.VectorSubcoreMesh(core_axis_name="c", subcore_axis_name="s")

    @functools.partial(
        pl.kernel,
        out_type=jax.ShapeDtypeStruct((_SEQ, _D, _SEQ), jnp.float32),
        mesh=mesh,
        scratch_types=(
            [pltpu.VMEM((1, 4097), jnp.float32)] * _KPW
            + [pltpu.VMEM((_JW,), jnp.int32)] * _NBUF
            + [pltpu.VMEM((1, _KPW, _JW), jnp.float32)] * _NBUF
            + [pltpu.SemaphoreType.DMA] * (2 * _NBUF)
        ),
        compiler_params=pltpu.CompilerParams(needs_layout_passes=False),
    )
    def k(idx_hbm, tab_hbm, out_hbm, *bufs):
        tabv = bufs[0:_KPW]
        bufs = bufs[_KPW:]
        idxv = bufs[0:_NBUF]
        outv = bufs[_NBUF:2 * _NBUF]
        sem_idx = bufs[2 * _NBUF:3 * _NBUF]
        sem_out = bufs[3 * _NBUF:4 * _NBUF]
        c = lax.axis_index("c")
        s = lax.axis_index("s")
        k0 = (s % _NKG) * _KPW
        j0 = (s // _NKG) * _JW
        row0 = c * _ROWS_PER_CORE

        for kr in range(_KPW):
            pltpu.sync_copy(tab_hbm.at[pl.ds(k0 + kr, 1)], tabv[kr])

        def issue_idx(i, b):
            pltpu.async_copy(
                idx_hbm.at[pl.ds((row0 + i) * _SEQ + j0, _JW)],
                idxv[b], sem_idx[b])

        def wait_idx(b):
            pltpu.make_async_copy(
                idx_hbm.at[pl.ds(0, _JW)],
                idxv[b], sem_idx[b]).wait()

        def issue_store(i, b):
            pltpu.async_copy(
                outv[b],
                out_hbm.at[pl.ds(row0 + i, 1), pl.ds(k0, _KPW), pl.ds(j0, _JW)],
                sem_out[b])

        def wait_store(b):
            pltpu.make_async_copy(
                outv[b],
                out_hbm.at[pl.ds(0, 1), pl.ds(k0, _KPW), pl.ds(j0, _JW)],
                sem_out[b]).wait()

        def compute(b):
            @plsc.parallel_loop(0, _JW // 16, unroll=4)
            def _(j16):
                iv = idxv[b][pl.ds(j16 * 16, 16)]
                zv = jnp.zeros((16,), jnp.int32)
                vals = [plsc.load_gather(tabv[kr], [zv, iv])
                        for kr in range(_KPW)]
                for kr in range(_KPW):
                    outv[b][0, kr, pl.ds(j16 * 16, 16)] = vals[kr]

        for b in range(_NBUF):
            issue_idx(b, b)

        def body(i, b):
            wait_idx(b)

            @pl.when(i >= _NBUF)
            def _():
                wait_store(b)

            compute(b)
            issue_store(i, b)

            @pl.when(i + _NBUF < _ROWS_PER_CORE)
            def _():
                issue_idx(i + _NBUF, b)

        def outer(g, carry):
            for b in range(_NBUF):
                body(g * _NBUF + b, b)
            return carry

        lax.fori_loop(0, _ROWS_PER_CORE // _NBUF, outer, 0)
        for b in range(_NBUF):
            wait_store(b)

    return k(idx, table_t)


def kernel(input, embeddings):
    table_t = jnp.swapaxes(embeddings, 0, 1)
    out = _gather_t(input.reshape(-1).astype(jnp.int32), table_t)
    return jnp.swapaxes(out, 1, 2)

# --- scband reference (transcript-rebuilt; emitter-appended) ---
"""Pipeline reference for scband-relative-position-embedding-6820408066763 (READ-ONLY COPY).

The authoritative reference and input builder live on the scoring server;
editing this copy changes nothing except your own understanding.
"""

import jax, jax.numpy as jnp
import numpy as np

HEAD_DIM = 64
MAX_POSITION = 2048
SEQ = 2048
NUM_ROWS = MAX_POSITION * 2 + 1  # 4097

def _xavier_normal(key, shape):
    fan_in, fan_out = shape[1], shape[0]
    std = (2.0 / (fan_in + fan_out)) ** 0.5
    return jax.random.normal(key, shape, dtype=jnp.float32) * std

def setup_inputs(seed: int = 0) -> dict:
    key = jax.random.key(seed)
    k1, k2 = jax.random.split(key)
    input_idx = jax.random.randint(k1, (SEQ, SEQ), 0, NUM_ROWS, dtype=jnp.int64) if jax.config.jax_enable_x64 else jax.random.randint(k1, (SEQ, SEQ), 0, NUM_ROWS, dtype=jnp.int32)
    embeddings = _xavier_normal(k2, (NUM_ROWS, HEAD_DIM))
    return {"input": input_idx, "embeddings": embeddings}

def reference(input, embeddings):
    # nn.functional.embedding(input.long(), self.embeddings)
    output = jnp.take(embeddings, input.astype(jnp.int32), axis=0)
    return output

if __name__ == "__main__":
    import jax
    _d = setup_inputs()
    print(jax.jit(kernel)(*tuple(_d.values())))

</pallas_src>

<mosaic_0001>
#map = affine_map<(d0, d1) -> (0)>
#map1 = affine_map<(d0, d1) -> (0, 0)>
#map2 = affine_map<(d0, d1) -> (0, 0, 0)>
module attributes {stable_mosaic.version = 14 : i64} {
  func.func @k(%arg0: i32, %arg1: i32, %arg2: memref<4194304xi32, #tpu.memory_space<hbm>>, %arg3: memref<64x4097xf32, #tpu.memory_space<hbm>>, %arg4: memref<2048x64x2048xf32, #tpu.memory_space<hbm>>, %arg5: memref<1x4097xf32, #tpu.memory_space<vmem>>, %arg6: memref<1x4097xf32, #tpu.memory_space<vmem>>, %arg7: memref<1x4097xf32, #tpu.memory_space<vmem>>, %arg8: memref<1x4097xf32, #tpu.memory_space<vmem>>, %arg9: memref<1x4097xf32, #tpu.memory_space<vmem>>, %arg10: memref<1x4097xf32, #tpu.memory_space<vmem>>, %arg11: memref<1x4097xf32, #tpu.memory_space<vmem>>, %arg12: memref<1x4097xf32, #tpu.memory_space<vmem>>, %arg13: memref<1024xi32, #tpu.memory_space<vmem>>, %arg14: memref<1024xi32, #tpu.memory_space<vmem>>, %arg15: memref<1024xi32, #tpu.memory_space<vmem>>, %arg16: memref<1024xi32, #tpu.memory_space<vmem>>, %arg17: memref<1x8x1024xf32, #tpu.memory_space<vmem>>, %arg18: memref<1x8x1024xf32, #tpu.memory_space<vmem>>, %arg19: memref<1x8x1024xf32, #tpu.memory_space<vmem>>, %arg20: memref<1x8x1024xf32, #tpu.memory_space<vmem>>, %arg21: memref<!tpu.dma_semaphore, #tpu.memory_space<semaphore_mem>>, %arg22: memref<!tpu.dma_semaphore, #tpu.memory_space<semaphore_mem>>, %arg23: memref<!tpu.dma_semaphore, #tpu.memory_space<semaphore_mem>>, %arg24: memref<!tpu.dma_semaphore, #tpu.memory_space<semaphore_mem>>, %arg25: memref<!tpu.dma_semaphore, #tpu.memory_space<semaphore_mem>>, %arg26: memref<!tpu.dma_semaphore, #tpu.memory_space<semaphore_mem>>, %arg27: memref<!tpu.dma_semaphore, #tpu.memory_space<semaphore_mem>>, %arg28: memref<!tpu.dma_semaphore, #tpu.memory_space<semaphore_mem>>) attributes {dimension_semantics = [#tpu.dimension_semantics<core_parallel>, #tpu.dimension_semantics<subcore_parallel>], iteration_bounds = array<i64: 2, 16>, scalar_prefetch = 0 : i64, scratch_operands = 24 : i64, tpu.core_type = #tpu.core_type<sc_vector_subcore>, window_params = [{transform_indices = #map}, {transform_indices = #map1}, {transform_indices = #map2}]} {
    %jit3A = arith.constant 8 : i32
    %eq3A = arith.constant 0 : i32
    %eq3A_0 = arith.cmpi eq, %jit3A, %eq3A : i32
    %jit3A_1 = arith.constant 1 : i32
    %select_n3A = arith.select %eq3A_0, %jit3A_1, %jit3A : i32
    %rem3A = arith.remsi %arg1, %select_n3A : i32
    %ne3A = arith.constant 0 : i32
    %ne3A_2 = arith.cmpi ne, %rem3A, %ne3A : i32
    %lt3A = arith.constant 0 : i32
    %lt3A_3 = arith.cmpi slt, %rem3A, %lt3A : i32
    %lt3A_4 = arith.constant 0 : i32
    %lt3A_5 = arith.cmpi slt, %select_n3A, %lt3A_4 : i32
    %ne3A_6 = arith.xori %lt3A_3, %lt3A_5 : i1
    %and3A = arith.andi %ne3A_6, %ne3A_2 : i1
    %add3A = arith.addi %rem3A, %select_n3A : i32
    %select_n3A_7 = arith.select %and3A, %add3A, %rem3A : i32
    %mul3A = arith.constant 8 : i32
    %mul3A_8 = arith.muli %select_n3A_7, %mul3A : i32
    %jit3A_9 = arith.constant 8 : i32
    %div3A = arith.divsi %arg1, %jit3A_9 : i32
    %sign3A = arith.constant 0 : i32
    %sign3A_10 = arith.cmpi sgt, %arg1, %sign3A : i32
    %sign3A_11 = arith.extui %sign3A_10 : i1 to i32
    %sign3A_12 = arith.constant 0 : i32
    %sign3A_13 = arith.cmpi slt, %arg1, %sign3A_12 : i32
    %sign3A_14 = arith.extui %sign3A_13 : i1 to i32
    %sign3A_15 = arith.subi %sign3A_11, %sign3A_14 : i32
    %sign3A_16 = arith.constant 0 : i32
    %sign3A_17 = arith.cmpi sgt, %jit3A_9, %sign3A_16 : i32
    %sign3A_18 = arith.extui %sign3A_17 : i1 to i32
    %sign3A_19 = arith.constant 0 : i32
    %sign3A_20 = arith.cmpi slt, %jit3A_9, %sign3A_19 : i32
    %sign3A_21 = arith.extui %sign3A_20 : i1 to i32
    %sign3A_22 = arith.subi %sign3A_18, %sign3A_21 : i32
    %ne3A_23 = arith.cmpi ne, %sign3A_15, %sign3A_22 : i32
    %rem3A_24 = arith.remsi %arg1, %jit3A_9 : i32
    %ne3A_25 = arith.constant 0 : i32
    %ne3A_26 = arith.cmpi ne, %rem3A_24, %ne3A_25 : i32
    %and3A_27 = arith.andi %ne3A_23, %ne3A_26 : i1
    %sub3A = arith.constant 1 : i32
    %sub3A_28 = arith.subi %div3A, %sub3A : i32
    %select_n3A_29 = arith.select %and3A_27, %sub3A_28, %div3A : i32
    %mul3A_30 = arith.constant 1024 : i32
    %mul3A_31 = arith.muli %select_n3A_29, %mul3A_30 : i32
    %mul3A_32 = arith.constant 1024 : i32
    %mul3A_33 = arith.muli %arg0, %mul3A_32 : i32
    %add3A_34 = arith.constant 0 : i32
    %add3A_35 = arith.addi %mul3A_8, %add3A_34 : i32
    "tpu.region"() ({
      %run_scoped3A = tpu.sem_alloc : memref<!tpu.dma_semaphore, #tpu.memory_space<semaphore_mem>>
      %dma_start3A_97 = arith.constant 0 : i32
      %dma_start3A_98 = tpu.memref_slice %arg3[%add3A_35, %dma_start3A_97] : memref<64x4097xf32, #tpu.memory_space<hbm>> -> memref<1x4097xf32, #tpu.memory_space<hbm>>
      %dma_start3A_99 = arith.constant 0 : i32
      %dma_start3A_100 = tpu.memref_slice %arg3[%add3A_35, %dma_start3A_99] : memref<64x4097xf32, #tpu.memory_space<hbm>> -> memref<1x4097xf32, #tpu.memory_space<hbm>>
      tpu.enqueue_dma source(%dma_start3A_100 : memref<1x4097xf32, #tpu.memory_space<hbm>>) target(%arg5 : memref<1x4097xf32, #tpu.memory_space<vmem>>) target_semaphore(%run_scoped3A : memref<!tpu.dma_semaphore, #tpu.memory_space<semaphore_mem>>)
      %dma_wait3A_101 = arith.constant 0 : i32
      %dma_wait3A_102 = tpu.memref_slice %arg3[%add3A_35, %dma_wait3A_101] : memref<64x4097xf32, #tpu.memory_space<hbm>> -> memref<1x4097xf32, #tpu.memory_space<hbm>>
      %dma_wait3A_103 = arith.constant 0 : i32
      %dma_wait3A_104 = tpu.memref_slice %arg3[%add3A_35, %dma_wait3A_103] : memref<64x4097xf32, #tpu.memory_space<hbm>> -> memref<1x4097xf32, #tpu.memory_space<hbm>>
      tpu.wait_dma2 semaphore(%run_scoped3A : memref<!tpu.dma_semaphore, #tpu.memory_space<semaphore_mem>>) src(%dma_wait3A_104 : memref<1x4097xf32, #tpu.memory_space<hbm>>) dst(%arg5 : memref<1x4097xf32, #tpu.memory_space<vmem>>)
      tpu.yield
    }) : () -> ()
    %add3A_36 = arith.constant 1 : i32
    %add3A_37 = arith.addi %mul3A_8, %add3A_36 : i32
    "tpu.region"() ({
      %run_scoped3A = tpu.sem_alloc : memref<!tpu.dma_semaphore, #tpu.memory_space<semaphore_mem>>
      %dma_start3A_97 = arith.constant 0 : i32
      %dma_start3A_98 = tpu.memref_slice %arg3[%add3A_37, %dma_start3A_97] : memref<64x4097xf32, #tpu.memory_space<hbm>> -> memref<1x4097xf32, #tpu.memory_space<hbm>>
      %dma_start3A_99 = arith.constant 0 : i32
      %dma_start3A_100 = tpu.memref_slice %arg3[%add3A_37, %dma_start3A_99] : memref<64x4097xf32, #tpu.memory_space<hbm>> -> memref<1x4097xf32, #tpu.memory_space<hbm>>
      tpu.enqueue_dma source(%dma_start3A_100 : memref<1x4097xf32, #tpu.memory_space<hbm>>) target(%arg6 : memref<1x4097xf32, #tpu.memory_space<vmem>>) target_semaphore(%run_scoped3A : memref<!tpu.dma_semaphore, #tpu.memory_space<semaphore_mem>>)
      %dma_wait3A_101 = arith.constant 0 : i32
      %dma_wait3A_102 = tpu.memref_slice %arg3[%add3A_37, %dma_wait3A_101] : memref<64x4097xf32, #tpu.memory_space<hbm>> -> memref<1x4097xf32, #tpu.memory_space<hbm>>
      %dma_wait3A_103 = arith.constant 0 : i32
      %dma_wait3A_104 = tpu.memref_slice %arg3[%add3A_37, %dma_wait3A_103] : memref<64x4097xf32, #tpu.memory_space<hbm>> -> memref<1x4097xf32, #tpu.memory_space<hbm>>
      tpu.wait_dma2 semaphore(%run_scoped3A : memref<!tpu.dma_semaphore, #tpu.memory_space<semaphore_mem>>) src(%dma_wait3A_104 : memref<1x4097xf32, #tpu.memory_space<hbm>>) dst(%arg6 : memref<1x4097xf32, #tpu.memory_space<vmem>>)
      tpu.yield
    }) : () -> ()
    %add3A_38 = arith.constant 2 : i32
    %add3A_39 = arith.addi %mul3A_8, %add3A_38 : i32
    "tpu.region"() ({
      %run_scoped3A = tpu.sem_alloc : memref<!tpu.dma_semaphore, #tpu.memory_space<semaphore_mem>>
      %dma_start3A_97 = arith.constant 0 : i32
      %dma_start3A_98 = tpu.memref_slice %arg3[%add3A_39, %dma_start3A_97] : memref<64x4097xf32, #tpu.memory_space<hbm>> -> memref<1x4097xf32, #tpu.memory_space<hbm>>
      %dma_start3A_99 = arith.constant 0 : i32
      %dma_start3A_100 = tpu.memref_slice %arg3[%add3A_39, %dma_start3A_99] : memref<64x4097xf32, #tpu.memory_space<hbm>> -> memref<1x4097xf32, #tpu.memory_space<hbm>>
      tpu.enqueue_dma source(%dma_start3A_100 : memref<1x4097xf32, #tpu.memory_space<hbm>>) target(%arg7 : memref<1x4097xf32, #tpu.memory_space<vmem>>) target_semaphore(%run_scoped3A : memref<!tpu.dma_semaphore, #tpu.memory_space<semaphore_mem>>)
      %dma_wait3A_101 = arith.constant 0 : i32
      %dma_wait3A_102 = tpu.memref_slice %arg3[%add3A_39, %dma_wait3A_101] : memref<64x4097xf32, #tpu.memory_space<hbm>> -> memref<1x4097xf32, #tpu.memory_space<hbm>>
      %dma_wait3A_103 = arith.constant 0 : i32
      %dma_wait3A_104 = tpu.memref_slice %arg3[%add3A_39, %dma_wait3A_103] : memref<64x4097xf32, #tpu.memory_space<hbm>> -> memref<1x4097xf32, #tpu.memory_space<hbm>>
      tpu.wait_dma2 semaphore(%run_scoped3A : memref<!tpu.dma_semaphore, #tpu.memory_space<semaphore_mem>>) src(%dma_wait3A_104 : memref<1x4097xf32, #tpu.memory_space<hbm>>) dst(%arg7 : memref<1x4097xf32, #tpu.memory_space<vmem>>)
      tpu.yield
    }) : () -> ()
    %add3A_40 = arith.constant 3 : i32
    %add3A_41 = arith.addi %mul3A_8, %add3A_40 : i32
    "tpu.region"() ({
      %run_scoped3A = tpu.sem_alloc : memref<!tpu.dma_semaphore, #tpu.memory_space<semaphore_mem>>
      %dma_start3A_97 = arith.constant 0 : i32
      %dma_start3A_98 = tpu.memref_slice %arg3[%add3A_41, %dma_start3A_97] : memref<64x4097xf32, #tpu.memory_space<hbm>> -> memref<1x4097xf32, #tpu.memory_space<hbm>>
      %dma_start3A_99 = arith.constant 0 : i32
      %dma_start3A_100 = tpu.memref_slice %arg3[%add3A_41, %dma_start3A_99] : memref<64x4097xf32, #tpu.memory_space<hbm>> -> memref<1x4097xf32, #tpu.memory_space<hbm>>
      tpu.enqueue_dma source(%dma_start3A_100 : memref<1x4097xf32, #tpu.memory_space<hbm>>) target(%arg8 : memref<1x4097xf32, #tpu.memory_space<vmem>>) target_semaphore(%run_scoped3A : memref<!tpu.dma_semaphore, #tpu.memory_space<semaphore_mem>>)
      %dma_wait3A_101 = arith.constant 0 : i32
      %dma_wait3A_102 = tpu.memref_slice %arg3[%add3A_41, %dma_wait3A_101] : memref<64x4097xf32, #tpu.memory_space<hbm>> -> memref<1x4097xf32, #tpu.memory_space<hbm>>
      %dma_wait3A_103 = arith.constant 0 : i32
      %dma_wait3A_104 = tpu.memref_slice %arg3[%add3A_41, %dma_wait3A_103] : memref<64x4097xf32, #tpu.memory_space<hbm>> -> memref<1x4097xf32, #tpu.memory_space<hbm>>
      tpu.wait_dma2 semaphore(%run_scoped3A : memref<!tpu.dma_semaphore, #tpu.memory_space<semaphore_mem>>) src(%dma_wait3A_104 : memref<1x4097xf32, #tpu.memory_space<hbm>>) dst(%arg8 : memref<1x4097xf32, #tpu.memory_space<vmem>>)
      tpu.yield
    }) : () -> ()
    %add3A_42 = arith.constant 4 : i32
    %add3A_43 = arith.addi %mul3A_8, %add3A_42 : i32
    "tpu.region"() ({
      %run_scoped3A = tpu.sem_alloc : memref<!tpu.dma_semaphore, #tpu.memory_space<semaphore_mem>>
      %dma_start3A_97 = arith.constant 0 : i32
      %dma_start3A_98 = tpu.memref_slice %arg3[%add3A_43, %dma_start3A_97] : memref<64x4097xf32, #tpu.memory_space<hbm>> -> memref<1x4097xf32, #tpu.memory_space<hbm>>
      %dma_start3A_99 = arith.constant 0 : i32
      %dma_start3A_100 = tpu.memref_slice %arg3[%add3A_43, %dma_start3A_99] : memref<64x4097xf32, #tpu.memory_space<hbm>> -> memref<1x4097xf32, #tpu.memory_space<hbm>>
      tpu.enqueue_dma source(%dma_start3A_100 : memref<1x4097xf32, #tpu.memory_space<hbm>>) target(%arg9 : memref<1x4097xf32, #tpu.memory_space<vmem>>) target_semaphore(%run_scoped3A : memref<!tpu.dma_semaphore, #tpu.memory_space<semaphore_mem>>)
      %dma_wait3A_101 = arith.constant 0 : i32
      %dma_wait3A_102 = tpu.memref_slice %arg3[%add3A_43, %dma_wait3A_101] : memref<64x4097xf32, #tpu.memory_space<hbm>> -> memref<1x4097xf32, #tpu.memory_space<hbm>>
      %dma_wait3A_103 = arith.constant 0 : i32
      %dma_wait3A_104 = tpu.memref_slice %arg3[%add3A_43, %dma_wait3A_103] : memref<64x4097xf32, #tpu.memory_space<hbm>> -> memref<1x4097xf32, #tpu.memory_space<hbm>>
      tpu.wait_dma2 semaphore(%run_scoped3A : memref<!tpu.dma_semaphore, #tpu.memory_space<semaphore_mem>>) src(%dma_wait3A_104 : memref<1x4097xf32, #tpu.memory_space<hbm>>) dst(%arg9 : memref<1x4097xf32, #tpu.memory_space<vmem>>)
      tpu.yield
    }) : () -> ()
    %add3A_44 = arith.constant 5 : i32
    %add3A_45 = arith.addi %mul3A_8, %add3A_44 : i32
    "tpu.region"() ({
      %run_scoped3A = tpu.sem_alloc : memref<!tpu.dma_semaphore, #tpu.memory_space<semaphore_mem>>
      %dma_start3A_97 = arith.constant 0 : i32
      %dma_start3A_98 = tpu.memref_slice %arg3[%add3A_45, %dma_start3A_97] : memref<64x4097xf32, #tpu.memory_space<hbm>> -> memref<1x4097xf32, #tpu.memory_space<hbm>>
      %dma_start3A_99 = arith.constant 0 : i32
      %dma_start3A_100 = tpu.memref_slice %arg3[%add3A_45, %dma_start3A_99] : memref<64x4097xf32, #tpu.memory_space<hbm>> -> memref<1x4097xf32, #tpu.memory_space<hbm>>
      tpu.enqueue_dma source(%dma_start3A_100 : memref<1x4097xf32, #tpu.memory_space<hbm>>) target(%arg10 : memref<1x4097xf32, #tpu.memory_space<vmem>>) target_semaphore(%run_scoped3A : memref<!tpu.dma_semaphore, #tpu.memory_space<semaphore_mem>>)
      %dma_wait3A_101 = arith.constant 0 : i32
      %dma_wait3A_102 = tpu.memref_slice %arg3[%add3A_45, %dma_wait3A_101] : memref<64x4097xf32, #tpu.memory_space<hbm>> -> memref<1x4097xf32, #tpu.memory_space<hbm>>
      %dma_wait3A_103 = arith.constant 0 : i32
      %dma_wait3A_104 = tpu.memref_slice %arg3[%add3A_45, %dma_wait3A_103] : memref<64x4097xf32, #tpu.memory_space<hbm>> -> memref<1x4097xf32, #tpu.memory_space<hbm>>
      tpu.wait_dma2 semaphore(%run_scoped3A : memref<!tpu.dma_semaphore, #tpu.memory_space<semaphore_mem>>) src(%dma_wait3A_104 : memref<1x4097xf32, #tpu.memory_space<hbm>>) dst(%arg10 : memref<1x4097xf32, #tpu.memory_space<vmem>>)
      tpu.yield
    }) : () -> ()
    %add3A_46 = arith.constant 6 : i32
    %add3A_47 = arith.addi %mul3A_8, %add3A_46 : i32
    "tpu.region"() ({
      %run_scoped3A = tpu.sem_alloc : memref<!tpu.dma_semaphore, #tpu.memory_space<semaphore_mem>>
      %dma_start3A_97 = arith.constant 0 : i32
      %dma_start3A_98 = tpu.memref_slice %arg3[%add3A_47, %dma_start3A_97] : memref<64x4097xf32, #tpu.memory_space<hbm>> -> memref<1x4097xf32, #tpu.memory_space<hbm>>
      %dma_start3A_99 = arith.constant 0 : i32
      %dma_start3A_100 = tpu.memref_slice %arg3[%add3A_47, %dma_start3A_99] : memref<64x4097xf32, #tpu.memory_space<hbm>> -> memref<1x4097xf32, #tpu.memory_space<hbm>>
      tpu.enqueue_dma source(%dma_start3A_100 : memref<1x4097xf32, #tpu.memory_space<hbm>>) target(%arg11 : memref<1x4097xf32, #tpu.memory_space<vmem>>) target_semaphore(%run_scoped3A : memref<!tpu.dma_semaphore, #tpu.memory_space<semaphore_mem>>)
      %dma_wait3A_101 = arith.constant 0 : i32
      %dma_wait3A_102 = tpu.memref_slice %arg3[%add3A_47, %dma_wait3A_101] : memref<64x4097xf32, #tpu.memory_space<hbm>> -> memref<1x4097xf32, #tpu.memory_space<hbm>>
      %dma_wait3A_103 = arith.constant 0 : i32
      %dma_wait3A_104 = tpu.memref_slice %arg3[%add3A_47, %dma_wait3A_103] : memref<64x4097xf32, #tpu.memory_space<hbm>> -> memref<1x4097xf32, #tpu.memory_space<hbm>>
      tpu.wait_dma2 semaphore(%run_scoped3A : memref<!tpu.dma_semaphore, #tpu.memory_space<semaphore_mem>>) src(%dma_wait3A_104 : memref<1x4097xf32, #tpu.memory_space<hbm>>) dst(%arg11 : memref<1x4097xf32, #tpu.memory_space<vmem>>)
      tpu.yield
    }) : () -> ()
    %add3A_48 = arith.constant 7 : i32
    %add3A_49 = arith.addi %mul3A_8, %add3A_48 : i32
    "tpu.region"() ({
      %run_scoped3A = tpu.sem_alloc : memref<!tpu.dma_semaphore, #tpu.memory_space<semaphore_mem>>
      %dma_start3A_97 = arith.constant 0 : i32
      %dma_start3A_98 = tpu.memref_slice %arg3[%add3A_49, %dma_start3A_97] : memref<64x4097xf32, #tpu.memory_space<hbm>> -> memref<1x4097xf32, #tpu.memory_space<hbm>>
      %dma_start3A_99 = arith.constant 0 : i32
      %dma_start3A_100 = tpu.memref_slice %arg3[%add3A_49, %dma_start3A_99] : memref<64x4097xf32, #tpu.memory_space<hbm>> -> memref<1x4097xf32, #tpu.memory_space<hbm>>
      tpu.enqueue_dma source(%dma_start3A_100 : memref<1x4097xf32, #tpu.memory_space<hbm>>) target(%arg12 : memref<1x4097xf32, #tpu.memory_space<vmem>>) target_semaphore(%run_scoped3A : memref<!tpu.dma_semaphore, #tpu.memory_space<semaphore_mem>>)
      %dma_wait3A_101 = arith.constant 0 : i32
      %dma_wait3A_102 = tpu.memref_slice %arg3[%add3A_49, %dma_wait3A_101] : memref<64x4097xf32, #tpu.memory_space<hbm>> -> memref<1x4097xf32, #tpu.memory_space<hbm>>
      %dma_wait3A_103 = arith.constant 0 : i32
      %dma_wait3A_104 = tpu.memref_slice %arg3[%add3A_49, %dma_wait3A_103] : memref<64x4097xf32, #tpu.memory_space<hbm>> -> memref<1x4097xf32, #tpu.memory_space<hbm>>
      tpu.wait_dma2 semaphore(%run_scoped3A : memref<!tpu.dma_semaphore, #tpu.memory_space<semaphore_mem>>) src(%dma_wait3A_104 : memref<1x4097xf32, #tpu.memory_space<hbm>>) dst(%arg12 : memref<1x4097xf32, #tpu.memory_space<vmem>>)
      tpu.yield
    }) : () -> ()
    %add3A_50 = arith.constant 0 : i32
    %add3A_51 = arith.addi %mul3A_33, %add3A_50 : i32
    %mul3A_52 = arith.constant 2048 : i32
    %mul3A_53 = arith.muli %add3A_51, %mul3A_52 : i32
    %add3A_54 = arith.addi %mul3A_53, %mul3A_31 : i32
    %dma_start3A = tpu.memref_slice %arg2[%add3A_54] : memref<4194304xi32, #tpu.memory_space<hbm>> -> memref<1024xi32, #tpu.memory_space<hbm>>
    %dma_start3A_55 = tpu.memref_slice %arg2[%add3A_54] : memref<4194304xi32, #tpu.memory_space<hbm>> -> memref<1024xi32, #tpu.memory_space<hbm>>
    tpu.enqueue_dma source(%dma_start3A_55 : memref<1024xi32, #tpu.memory_space<hbm>>) target(%arg13 : memref<1024xi32, #tpu.memory_space<vmem>>) target_semaphore(%arg21 : memref<!tpu.dma_semaphore, #tpu.memory_space<semaphore_mem>>)
    %add3A_56 = arith.constant 1 : i32
    %add3A_57 = arith.addi %mul3A_33, %add3A_56 : i32
    %mul3A_58 = arith.constant 2048 : i32
    %mul3A_59 = arith.muli %add3A_57, %mul3A_58 : i32
    %add3A_60 = arith.addi %mul3A_59, %mul3A_31 : i32
    %dma_start3A_61 = tpu.memref_slice %arg2[%add3A_60] : memref<4194304xi32, #tpu.memory_space<hbm>> -> memref<1024xi32, #tpu.memory_space<hbm>>
    %dma_start3A_62 = tpu.memref_slice %arg2[%add3A_60] : memref<4194304xi32, #tpu.memory_space<hbm>> -> memref<1024xi32, #tpu.memory_space<hbm>>
    tpu.enqueue_dma source(%dma_start3A_62 : memref<1024xi32, #tpu.memory_space<hbm>>) target(%arg14 : memref<1024xi32, #tpu.memory_space<vmem>>) target_semaphore(%arg22 : memref<!tpu.dma_semaphore, #tpu.memory_space<semaphore_mem>>)
    %add3A_63 = arith.constant 2 : i32
    %add3A_64 = arith.addi %mul3A_33, %add3A_63 : i32
    %mul3A_65 = arith.constant 2048 : i32
    %mul3A_66 = arith.muli %add3A_64, %mul3A_65 : i32
    %add3A_67 = arith.addi %mul3A_66, %mul3A_31 : i32
    %dma_start3A_68 = tpu.memref_slice %arg2[%add3A_67] : memref<4194304xi32, #tpu.memory_space<hbm>> -> memref<1024xi32, #tpu.memory_space<hbm>>
    %dma_start3A_69 = tpu.memref_slice %arg2[%add3A_67] : memref<4194304xi32, #tpu.memory_space<hbm>> -> memref<1024xi32, #tpu.memory_space<hbm>>
    tpu.enqueue_dma source(%dma_start3A_69 : memref<1024xi32, #tpu.memory_space<hbm>>) target(%arg15 : memref<1024xi32, #tpu.memory_space<vmem>>) target_semaphore(%arg23 : memref<!tpu.dma_semaphore, #tpu.memory_space<semaphore_mem>>)
    %add3A_70 = arith.constant 3 : i32
    %add3A_71 = arith.addi %mul3A_33, %add3A_70 : i32
    %mul3A_72 = arith.constant 2048 : i32
    %mul3A_73 = arith.muli %add3A_71, %mul3A_72 : i32
    %add3A_74 = arith.addi %mul3A_73, %mul3A_31 : i32
    %dma_start3A_75 = tpu.memref_slice %arg2[%add3A_74] : memref<4194304xi32, #tpu.memory_space<hbm>> -> memref<1024xi32, #tpu.memory_space<hbm>>
    %dma_start3A_76 = tpu.memref_slice %arg2[%add3A_74] : memref<4194304xi32, #tpu.memory_space<hbm>> -> memref<1024xi32, #tpu.memory_space<hbm>>
    tpu.enqueue_dma source(%dma_start3A_76 : memref<1024xi32, #tpu.memory_space<hbm>>) target(%arg16 : memref<1024xi32, #tpu.memory_space<vmem>>) target_semaphore(%arg24 : memref<!tpu.dma_semaphore, #tpu.memory_space<semaphore_mem>>)
    %scan3A = arith.constant 0 : i32
    %scan3A_77 = arith.constant 0 : i32
    %scan3A_78 = arith.constant 256 : i32
    %scan3A_79 = arith.addi %scan3A_77, %scan3A_78 : i32
    %scan3A_80 = arith.constant 1 : i32
    scf.for %scan3A_97 = %scan3A_77 to %scan3A_79 step %scan3A_80  : i32 {
      %mul3A_98 = arith.constant 4 : i32
      %mul3A_99 = arith.muli %scan3A_97, %mul3A_98 : i32
      %add3A_100 = arith.constant 0 : i32
      %add3A_101 = arith.addi %mul3A_99, %add3A_100 : i32
      %dma_wait3A_102 = arith.constant 0 : i32
      %dma_wait3A_103 = tpu.memref_slice %arg2[%dma_wait3A_102] : memref<4194304xi32, #tpu.memory_space<hbm>> -> memref<1024xi32, #tpu.memory_space<hbm>>
      %dma_wait3A_104 = arith.constant 0 : i32
      %dma_wait3A_105 = tpu.memref_slice %arg2[%dma_wait3A_104] : memref<4194304xi32, #tpu.memory_space<hbm>> -> memref<1024xi32, #tpu.memory_space<hbm>>
      tpu.wait_dma2 semaphore(%arg21 : memref<!tpu.dma_semaphore, #tpu.memory_space<semaphore_mem>>) src(%dma_wait3A_105 : memref<1024xi32, #tpu.memory_space<hbm>>) dst(%arg13 : memref<1024xi32, #tpu.memory_space<vmem>>)
      %ge3A = arith.constant 4 : i32
      %ge3A_106 = arith.cmpi sge, %add3A_101, %ge3A : i32
      %convert_element_type3A = arith.extui %ge3A_106 : i1 to i32
      %cond3A = arith.constant 0 : i32
      %cond3A_107 = arith.cmpi ne, %convert_element_type3A, %cond3A : i32
      scf.if %cond3A_107 {
        %dma_wait3A_198 = arith.constant 0 : i32
        %dma_wait3A_199 = tpu.memref_slice %arg4[%dma_wait3A_198, %mul3A_8, %mul3A_31] : memref<2048x64x2048xf32, #tpu.memory_space<hbm>> -> memref<1x8x1024xf32, #tpu.memory_space<hbm>>
        %dma_wait3A_200 = arith.constant 0 : i32
        %dma_wait3A_201 = tpu.memref_slice %arg4[%dma_wait3A_200, %mul3A_8, %mul3A_31] : memref<2048x64x2048xf32, #tpu.memory_space<hbm>> -> memref<1x8x1024xf32, #tpu.memory_space<hbm>>
        tpu.wait_dma2 semaphore(%arg25 : memref<!tpu.dma_semaphore, #tpu.memory_space<semaphore_mem>>) src(%arg17 : memref<1x8x1024xf32, #tpu.memory_space<vmem>>) dst(%dma_wait3A_201 : memref<1x8x1024xf32, #tpu.memory_space<hbm>>)
      } else {
      }
      %parallel_loop3A = arith.constant 0 : i32
      %parallel_loop3A_108 = arith.constant 64 : i32
      %parallel_loop3A_109 = arith.constant 1 : i32
      scf.for %parallel_loop3A_198 = %parallel_loop3A to %parallel_loop3A_108 step %parallel_loop3A_109  : i32 {
        %parallel_loop3A_199 = arith.constant 16 : i32
        %parallel_loop3A_200 = arith.muli %parallel_loop3A_198, %parallel_loop3A_199 : i32
        %parallel_loop3A_201 = arith.index_cast %parallel_loop3A_200 : i32 to index
        %parallel_loop3A_202 = tpu.vector_load %arg13[%parallel_loop3A_201] {strides = array<i32>} : memref<1024xi32, #tpu.memory_space<vmem>>, vector<16xi32>,
        %parallel_loop3A_203 = arith.constant 0 : i32
        %parallel_loop3A_204 = vector.broadcast %parallel_loop3A_203 : i32 to vector<16xi32>
        %parallel_loop3A_205 = tpu.vector_load_idx %arg5[%parallel_loop3A_204, %parallel_loop3A_202] : memref<1x4097xf32, #tpu.memory_space<vmem>>[vector<16xi32>, vector<16xi32>], vector<16xf32>,
        %parallel_loop3A_206 = tpu.vector_load_idx %arg6[%parallel_loop3A_204, %parallel_loop3A_202] : memref<1x4097xf32, #tpu.memory_space<vmem>>[vector<16xi32>, vector<16xi32>], vector<16xf32>,
        %parallel_loop3A_207 = tpu.vector_load_idx %arg7[%parallel_loop3A_204, %parallel_loop3A_202] : memref<1x4097xf32, #tpu.memory_space<vmem>>[vector<16xi32>, vector<16xi32>], vector<16xf32>,
        %parallel_loop3A_208 = tpu.vector_load_idx %arg8[%parallel_loop3A_204, %parallel_loop3A_202] : memref<1x4097xf32, #tpu.memory_space<vmem>>[vector<16xi32>, vector<16xi32>], vector<16xf32>,
        %parallel_loop3A_209 = tpu.vector_load_idx %arg9[%parallel_loop3A_204, %parallel_loop3A_202] : memref<1x4097xf32, #tpu.memory_space<vmem>>[vector<16xi32>, vector<16xi32>], vector<16xf32>,
        %parallel_loop3A_210 = tpu.vector_load_idx %arg10[%parallel_loop3A_204, %parallel_loop3A_202] : memref<1x4097xf32, #tpu.memory_space<vmem>>[vector<16xi32>, vector<16xi32>], vector<16xf32>,
        %parallel_loop3A_211 = tpu.vector_load_idx %arg11[%parallel_loop3A_204, %parallel_loop3A_202] : memref<1x4097xf32, #tpu.memory_space<vmem>>[vector<16xi32>, vector<16xi32>], vector<16xf32>,
        %parallel_loop3A_212 = tpu.vector_load_idx %arg12[%parallel_loop3A_204, %parallel_loop3A_202] : memref<1x4097xf32, #tpu.memory_space<vmem>>[vector<16xi32>, vector<16xi32>], vector<16xf32>,
        %parallel_loop3A_213 = arith.constant 16 : i32
        %parallel_loop3A_214 = arith.muli %parallel_loop3A_198, %parallel_loop3A_213 : i32
        %parallel_loop3A_215 = arith.constant 0 : i32
        %parallel_loop3A_216 = arith.constant 0 : i32
        %parallel_loop3A_217 = arith.index_cast %parallel_loop3A_215 : i32 to index
        %parallel_loop3A_218 = arith.index_cast %parallel_loop3A_216 : i32 to index
        %parallel_loop3A_219 = arith.index_cast %parallel_loop3A_214 : i32 to index
        %parallel_loop3A_220 = tpu.vector_load %arg17[%parallel_loop3A_217, %parallel_loop3A_218, %parallel_loop3A_219] {strides = array<i32>} : memref<1x8x1024xf32, #tpu.memory_space<vmem>>, vector<16xf32>,
        tpu.vector_store %arg17[%parallel_loop3A_217, %parallel_loop3A_218, %parallel_loop3A_219], %parallel_loop3A_205 {strides = array<i32>} : memref<1x8x1024xf32, #tpu.memory_space<vmem>>, vector<16xf32>,
        %parallel_loop3A_221 = arith.constant 16 : i32
        %parallel_loop3A_222 = arith.muli %parallel_loop3A_198, %parallel_loop3A_221 : i32
        %parallel_loop3A_223 = arith.constant 0 : i32
        %parallel_loop3A_224 = arith.constant 1 : i32
        %parallel_loop3A_225 = arith.index_cast %parallel_loop3A_223 : i32 to index
        %parallel_loop3A_226 = arith.index_cast %parallel_loop3A_224 : i32 to index
        %parallel_loop3A_227 = arith.index_cast %parallel_loop3A_222 : i32 to index
        %parallel_loop3A_228 = tpu.vector_load %arg17[%parallel_loop3A_225, %parallel_loop3A_226, %parallel_loop3A_227] {strides = array<i32>} : memref<1x8x1024xf32, #tpu.memory_space<vmem>>, vector<16xf32>,
        tpu.vector_store %arg17[%parallel_loop3A_225, %parallel_loop3A_226, %parallel_loop3A_227], %parallel_loop3A_206 {strides = array<i32>} : memref<1x8x1024xf32, #tpu.memory_space<vmem>>, vector<16xf32>,
        %parallel_loop3A_229 = arith.constant 16 : i32
        %parallel_loop3A_230 = arith.muli %parallel_loop3A_198, %parallel_loop3A_229 : i32
        %parallel_loop3A_231 = arith.constant 0 : i32
        %parallel_loop3A_232 = arith.constant 2 : i32
        %parallel_loop3A_233 = arith.index_cast %parallel_loop3A_231 : i32 to index
        %parallel_loop3A_234 = arith.index_cast %parallel_loop3A_232 : i32 to index
        %parallel_loop3A_235 = arith.index_cast %parallel_loop3A_230 : i32 to index
        %parallel_loop3A_236 = tpu.vector_load %arg17[%parallel_loop3A_233, %parallel_loop3A_234, %parallel_loop3A_235] {strides = array<i32>} : memref<1x8x1024xf32, #tpu.memory_space<vmem>>, vector<16xf32>,
        tpu.vector_store %arg17[%parallel_loop3A_233, %parallel_loop3A_234, %parallel_loop3A_235], %parallel_loop3A_207 {strides = array<i32>} : memref<1x8x1024xf32, #tpu.memory_space<vmem>>, vector<16xf32>,
        %parallel_loop3A_237 = arith.constant 16 : i32
        %parallel_loop3A_238 = arith.muli %parallel_loop3A_198, %parallel_loop3A_237 : i32
        %parallel_loop3A_239 = arith.constant 0 : i32
        %parallel_loop3A_240 = arith.constant 3 : i32
        %parallel_loop3A_241 = arith.index_cast %parallel_loop3A_239 : i32 to index
        %parallel_loop3A_242 = arith.index_cast %parallel_loop3A_240 : i32 to index
        %parallel_loop3A_243 = arith.index_cast %parallel_loop3A_238 : i32 to index
        %parallel_loop3A_244 = tpu.vector_load %arg17[%parallel_loop3A_241, %parallel_loop3A_242, %parallel_loop3A_243] {strides = array<i32>} : memref<1x8x1024xf32, #tpu.memory_space<vmem>>, vector<16xf32>,
        tpu.vector_store %arg17[%parallel_loop3A_241, %parallel_loop3A_242, %parallel_loop3A_243], %parallel_loop3A_208 {strides = array<i32>} : memref<1x8x1024xf32, #tpu.memory_space<vmem>>, vector<16xf32>,
        %parallel_loop3A_245 = arith.constant 16 : i32
        %parallel_loop3A_246 = arith.muli %parallel_loop3A_198, %parallel_loop3A_245 : i32
        %parallel_loop3A_247 = arith.constant 0 : i32
        %parallel_loop3A_248 = arith.constant 4 : i32
        %parallel_loop3A_249 = arith.index_cast %parallel_loop3A_247 : i32 to index
        %parallel_loop3A_250 = arith.index_cast %parallel_loop3A_248 : i32 to index
        %parallel_loop3A_251 = arith.index_cast %parallel_loop3A_246 : i32 to index
        %parallel_loop3A_252 = tpu.vector_load %arg17[%parallel_loop3A_249, %parallel_loop3A_250, %parallel_loop3A_251] {strides = array<i32>} : memref<1x8x1024xf32, #tpu.memory_space<vmem>>, vector<16xf32>,
        tpu.vector_store %arg17[%parallel_loop3A_249, %parallel_loop3A_250, %parallel_loop3A_251], %parallel_loop3A_209 {strides = array<i32>} : memref<1x8x1024xf32, #tpu.memory_space<vmem>>, vector<16xf32>,
        %parallel_loop3A_253 = arith.constant 16 : i32
        %parallel_loop3A_254 = arith.muli %parallel_loop3A_198, %parallel_loop3A_253 : i32
        %parallel_loop3A_255 = arith.constant 0 : i32
        %parallel_loop3A_256 = arith.constant 5 : i32
        %parallel_loop3A_257 = arith.index_cast %parallel_loop3A_255 : i32 to index
        %parallel_loop3A_258 = arith.index_cast %parallel_loop3A_256 : i32 to index
        %parallel_loop3A_259 = arith.index_cast %parallel_loop3A_254 : i32 to index
        %parallel_loop3A_260 = tpu.vector_load %arg17[%parallel_loop3A_257, %parallel_loop3A_258, %parallel_loop3A_259] {strides = array<i32>} : memref<1x8x1024xf32, #tpu.memory_space<vmem>>, vector<16xf32>,
        tpu.vector_store %arg17[%parallel_loop3A_257, %parallel_loop3A_258, %parallel_loop3A_259], %parallel_loop3A_210 {strides = array<i32>} : memref<1x8x1024xf32, #tpu.memory_space<vmem>>, vector<16xf32>,
        %parallel_loop3A_261 = arith.constant 16 : i32
        %parallel_loop3A_262 = arith.muli %parallel_loop3A_198, %parallel_loop3A_261 : i32
        %parallel_loop3A_263 = arith.constant 0 : i32
        %parallel_loop3A_264 = arith.constant 6 : i32
        %parallel_loop3A_265 = arith.index_cast %parallel_loop3A_263 : i32 to index
        %parallel_loop3A_266 = arith.index_cast %parallel_loop3A_264 : i32 to index
        %parallel_loop3A_267 = arith.index_cast %parallel_loop3A_262 : i32 to index
        %parallel_loop3A_268 = tpu.vector_load %arg17[%parallel_loop3A_265, %parallel_loop3A_266, %parallel_loop3A_267] {strides = array<i32>} : memref<1x8x1024xf32, #tpu.memory_space<vmem>>, vector<16xf32>,
        tpu.vector_store %arg17[%parallel_loop3A_265, %parallel_loop3A_266, %parallel_loop3A_267], %parallel_loop3A_211 {strides = array<i32>} : memref<1x8x1024xf32, #tpu.memory_space<vmem>>, vector<16xf32>,
        %parallel_loop3A_269 = arith.constant 16 : i32
        %parallel_loop3A_270 = arith.muli %parallel_loop3A_198, %parallel_loop3A_269 : i32
        %parallel_loop3A_271 = arith.constant 0 : i32
        %parallel_loop3A_272 = arith.constant 7 : i32
        %parallel_loop3A_273 = arith.index_cast %parallel_loop3A_271 : i32 to index
        %parallel_loop3A_274 = arith.index_cast %parallel_loop3A_272 : i32 to index
        %parallel_loop3A_275 = arith.index_cast %parallel_loop3A_270 : i32 to index
        %parallel_loop3A_276 = tpu.vector_load %arg17[%parallel_loop3A_273, %parallel_loop3A_274, %parallel_loop3A_275] {strides = array<i32>} : memref<1x8x1024xf32, #tpu.memory_space<vmem>>, vector<16xf32>,
        tpu.vector_store %arg17[%parallel_loop3A_273, %parallel_loop3A_274, %parallel_loop3A_275], %parallel_loop3A_212 {strides = array<i32>} : memref<1x8x1024xf32, #tpu.memory_space<vmem>>, vector<16xf32>,
      } {sc.loop_unroll_factor = 4 : i64, sc.parallel_access}
      %add3A_110 = arith.addi %mul3A_33, %add3A_101 : i32
      %dma_start3A_111 = tpu.memref_slice %arg4[%add3A_110, %mul3A_8, %mul3A_31] : memref<2048x64x2048xf32, #tpu.memory_space<hbm>> -> memref<1x8x1024xf32, #tpu.memory_space<hbm>>
      %dma_start3A_112 = tpu.memref_slice %arg4[%add3A_110, %mul3A_8, %mul3A_31] : memref<2048x64x2048xf32, #tpu.memory_space<hbm>> -> memref<1x8x1024xf32, #tpu.memory_space<hbm>>
      tpu.enqueue_dma source(%arg17 : memref<1x8x1024xf32, #tpu.memory_space<vmem>>) target(%dma_start3A_112 : memref<1x8x1024xf32, #tpu.memory_space<hbm>>) target_semaphore(%arg25 : memref<!tpu.dma_semaphore, #tpu.memory_space<semaphore_mem>>)
      %add3A_113 = arith.constant 4 : i32
      %add3A_114 = arith.addi %add3A_101, %add3A_113 : i32
      %lt3A_115 = arith.constant 1024 : i32
      %lt3A_116 = arith.cmpi slt, %add3A_114, %lt3A_115 : i32
      %convert_element_type3A_117 = arith.extui %lt3A_116 : i1 to i32
      %cond3A_118 = arith.constant 0 : i32
      %cond3A_119 = arith.cmpi ne, %convert_element_type3A_117, %cond3A_118 : i32
      scf.if %cond3A_119 {
        %add3A_198 = arith.constant 4 : i32
        %add3A_199 = arith.addi %add3A_101, %add3A_198 : i32
        %add3A_200 = arith.addi %mul3A_33, %add3A_199 : i32
        %mul3A_201 = arith.constant 2048 : i32
        %mul3A_202 = arith.muli %add3A_200, %mul3A_201 : i32
        %add3A_203 = arith.addi %mul3A_202, %mul3A_31 : i32
        %dma_start3A_204 = tpu.memref_slice %arg2[%add3A_203] : memref<4194304xi32, #tpu.memory_space<hbm>> -> memref<1024xi32, #tpu.memory_space<hbm>>
        %dma_start3A_205 = tpu.memref_slice %arg2[%add3A_203] : memref<4194304xi32, #tpu.memory_space<hbm>> -> memref<1024xi32, #tpu.memory_space<hbm>>
        tpu.enqueue_dma source(%dma_start3A_205 : memref<1024xi32, #tpu.memory_space<hbm>>) target(%arg13 : memref<1024xi32, #tpu.memory_space<vmem>>) target_semaphore(%arg21 : memref<!tpu.dma_semaphore, #tpu.memory_space<semaphore_mem>>)
      } else {
      }
      %mul3A_120 = arith.constant 4 : i32
      %mul3A_121 = arith.muli %scan3A_97, %mul3A_120 : i32
      %add3A_122 = arith.constant 1 : i32
      %add3A_123 = arith.addi %mul3A_121, %add3A_122 : i32
      %dma_wait3A_124 = arith.constant 0 : i32
      %dma_wait3A_125 = tpu.memref_slice %arg2[%dma_wait3A_124] : memref<4194304xi32, #tpu.memory_space<hbm>> -> memref<1024xi32, #tpu.memory_space<hbm>>
      %dma_wait3A_126 = arith.constant 0 : i32
      %dma_wait3A_127 = tpu.memref_slice %arg2[%dma_wait3A_126] : memref<4194304xi32, #tpu.memory_space<hbm>> -> memref<1024xi32, #tpu.memory_space<hbm>>
      tpu.wait_dma2 semaphore(%arg22 : memref<!tpu.dma_semaphore, #tpu.memory_space<semaphore_mem>>) src(%dma_wait3A_127 : memref<1024xi32, #tpu.memory_space<hbm>>) dst(%arg14 : memref<1024xi32, #tpu.memory_space<vmem>>)
      %ge3A_128 = arith.constant 4 : i32
      %ge3A_129 = arith.cmpi sge, %add3A_123, %ge3A_128 : i32
      %convert_element_type3A_130 = arith.extui %ge3A_129 : i1 to i32
      %cond3A_131 = arith.constant 0 : i32
      %cond3A_132 = arith.cmpi ne, %convert_element_type3A_130, %cond3A_131 : i32
      scf.if %cond3A_132 {
        %dma_wait3A_198 = arith.constant 0 : i32
        %dma_wait3A_199 = tpu.memref_slice %arg4[%dma_wait3A_198, %mul3A_8, %mul3A_31] : memref<2048x64x2048xf32, #tpu.memory_space<hbm>> -> memref<1x8x1024xf32, #tpu.memory_space<hbm>>
        %dma_wait3A_200 = arith.constant 0 : i32
        %dma_wait3A_201 = tpu.memref_slice %arg4[%dma_wait3A_200, %mul3A_8, %mul3A_31] : memref<2048x64x2048xf32, #tpu.memory_space<hbm>> -> memref<1x8x1024xf32, #tpu.memory_space<hbm>>
        tpu.wait_dma2 semaphore(%arg26 : memref<!tpu.dma_semaphore, #tpu.memory_space<semaphore_mem>>) src(%arg18 : memref<1x8x1024xf32, #tpu.memory_space<vmem>>) dst(%dma_wait3A_201 : memref<1x8x1024xf32, #tpu.memory_space<hbm>>)
      } else {
      }
      %parallel_loop3A_133 = arith.constant 0 : i32
      %parallel_loop3A_134 = arith.constant 64 : i32
      %parallel_loop3A_135 = arith.constant 1 : i32
      scf.for %parallel_loop3A_198 = %parallel_loop3A_133 to %parallel_loop3A_134 step %parallel_loop3A_135  : i32 {
        %parallel_loop3A_199 = arith.constant 16 : i32
        %parallel_loop3A_200 = arith.muli %parallel_loop3A_198, %parallel_loop3A_199 : i32
        %parallel_loop3A_201 = arith.index_cast %parallel_loop3A_200 : i32 to index
        %parallel_loop3A_202 = tpu.vector_load %arg14[%parallel_loop3A_201] {strides = array<i32>} : memref<1024xi32, #tpu.memory_space<vmem>>, vector<16xi32>,
        %parallel_loop3A_203 = arith.constant 0 : i32
        %parallel_loop3A_204 = vector.broadcast %parallel_loop3A_203 : i32 to vector<16xi32>
        %parallel_loop3A_205 = tpu.vector_load_idx %arg5[%parallel_loop3A_204, %parallel_loop3A_202] : memref<1x4097xf32, #tpu.memory_space<vmem>>[vector<16xi32>, vector<16xi32>], vector<16xf32>,
        %parallel_loop3A_206 = tpu.vector_load_idx %arg6[%parallel_loop3A_204, %parallel_loop3A_202] : memref<1x4097xf32, #tpu.memory_space<vmem>>[vector<16xi32>, vector<16xi32>], vector<16xf32>,
        %parallel_loop3A_207 = tpu.vector_load_idx %arg7[%parallel_loop3A_204, %parallel_loop3A_202] : memref<1x4097xf32, #tpu.memory_space<vmem>>[vector<16xi32>, vector<16xi32>], vector<16xf32>,
        %parallel_loop3A_208 = tpu.vector_load_idx %arg8[%parallel_loop3A_204, %parallel_loop3A_202] : memref<1x4097xf32, #tpu.memory_space<vmem>>[vector<16xi32>, vector<16xi32>], vector<16xf32>,
        %parallel_loop3A_209 = tpu.vector_load_idx %arg9[%parallel_loop3A_204, %parallel_loop3A_202] : memref<1x4097xf32, #tpu.memory_space<vmem>>[vector<16xi32>, vector<16xi32>], vector<16xf32>,
        %parallel_loop3A_210 = tpu.vector_load_idx %arg10[%parallel_loop3A_204, %parallel_loop3A_202] : memref<1x4097xf32, #tpu.memory_space<vmem>>[vector<16xi32>, vector<16xi32>], vector<16xf32>,
        %parallel_loop3A_211 = tpu.vector_load_idx %arg11[%parallel_loop3A_204, %parallel_loop3A_202] : memref<1x4097xf32, #tpu.memory_space<vmem>>[vector<16xi32>, vector<16xi32>], vector<16xf32>,
        %parallel_loop3A_212 = tpu.vector_load_idx %arg12[%parallel_loop3A_204, %parallel_loop3A_202] : memref<1x4097xf32, #tpu.memory_space<vmem>>[vector<16xi32>, vector<16xi32>], vector<16xf32>,
        %parallel_loop3A_213 = arith.constant 16 : i32
        %parallel_loop3A_214 = arith.muli %parallel_loop3A_198, %parallel_loop3A_213 : i32
        %parallel_loop3A_215 = arith.constant 0 : i32
        %parallel_loop3A_216 = arith.constant 0 : i32
        %parallel_loop3A_217 = arith.index_cast %parallel_loop3A_215 : i32 to index
        %parallel_loop3A_218 = arith.index_cast %parallel_loop3A_216 : i32 to index
        %parallel_loop3A_219 = arith.index_cast %parallel_loop3A_214 : i32 to index
        %parallel_loop3A_220 = tpu.vector_load %arg18[%parallel_loop3A_217, %parallel_loop3A_218, %parallel_loop3A_219] {strides = array<i32>} : memref<1x8x1024xf32, #tpu.memory_space<vmem>>, vector<16xf32>,
        tpu.vector_store %arg18[%parallel_loop3A_217, %parallel_loop3A_218, %parallel_loop3A_219], %parallel_loop3A_205 {strides = array<i32>} : memref<1x8x1024xf32, #tpu.memory_space<vmem>>, vector<16xf32>,
        %parallel_loop3A_221 = arith.constant 16 : i32
        %parallel_loop3A_222 = arith.muli %parallel_loop3A_198, %parallel_loop3A_221 : i32
        %parallel_loop3A_223 = arith.constant 0 : i32
        %parallel_loop3A_224 = arith.constant 1 : i32
        %parallel_loop3A_225 = arith.index_cast %parallel_loop3A_223 : i32 to index
        %parallel_loop3A_226 = arith.index_cast %parallel_loop3A_224 : i32 to index
        %parallel_loop3A_227 = arith.index_cast %parallel_loop3A_222 : i32 to index
        %parallel_loop3A_228 = tpu.vector_load %arg18[%parallel_loop3A_225, %parallel_loop3A_226, %parallel_loop3A_227] {strides = array<i32>} : memref<1x8x1024xf32, #tpu.memory_space<vmem>>, vector<16xf32>,
        tpu.vector_store %arg18[%parallel_loop3A_225, %parallel_loop3A_226, %parallel_loop3A_227], %parallel_loop3A_206 {strides = array<i32>} : memref<1x8x1024xf32, #tpu.memory_space<vmem>>, vector<16xf32>,
        %parallel_loop3A_229 = arith.constant 16 : i32
        %parallel_loop3A_230 = arith.muli %parallel_loop3A_198, %parallel_loop3A_229 : i32
        %parallel_loop3A_231 = arith.constant 0 : i32
        %parallel_loop3A_232 = arith.constant 2 : i32
        %parallel_loop3A_233 = arith.index_cast %parallel_loop3A_231 : i32 to index
        %parallel_loop3A_234 = arith.index_cast %parallel_loop3A_232 : i32 to index
        %parallel_loop3A_235 = arith.index_cast %parallel_loop3A_230 : i32 to index
        %parallel_loop3A_236 = tpu.vector_load %arg18[%parallel_loop3A_233, %parallel_loop3A_234, %parallel_loop3A_235] {strides = array<i32>} : memref<1x8x1024xf32, #tpu.memory_space<vmem>>, vector<16xf32>,
        tpu.vector_store %arg18[%parallel_loop3A_233, %parallel_loop3A_234, %parallel_loop3A_235], %parallel_loop3A_207 {strides = array<i32>} : memref<1x8x1024xf32, #tpu.memory_space<vmem>>, vector<16xf32>,
        %parallel_loop3A_237 = arith.constant 16 : i32
        %parallel_loop3A_238 = arith.muli %parallel_loop3A_198, %parallel_loop3A_237 : i32
        %parallel_loop3A_239 = arith.constant 0 : i32
        %parallel_loop3A_240 = arith.constant 3 : i32
        %parallel_loop3A_241 = arith.index_cast %parallel_loop3A_239 : i32 to index
        %parallel_loop3A_242 = arith.index_cast %parallel_loop3A_240 : i32 to index
        %parallel_loop3A_243 = arith.index_cast %parallel_loop3A_238 : i32 to index
        %parallel_loop3A_244 = tpu.vector_load %arg18[%parallel_loop3A_241, %parallel_loop3A_242, %parallel_loop3A_243] {strides = array<i32>} : memref<1x8x1024xf32, #tpu.memory_space<vmem>>, vector<16xf32>,
        tpu.vector_store %arg18[%parallel_loop3A_241, %parallel_loop3A_242, %parallel_loop3A_243], %parallel_loop3A_208 {strides = array<i32>} : memref<1x8x1024xf32, #tpu.memory_space<vmem>>, vector<16xf32>,
        %parallel_loop3A_245 = arith.constant 16 : i32
        %parallel_loop3A_246 = arith.muli %parallel_loop3A_198, %parallel_loop3A_245 : i32
        %parallel_loop3A_247 = arith.constant 0 : i32
        %parallel_loop3A_248 = arith.constant 4 : i32
        %parallel_loop3A_249 = arith.index_cast %parallel_loop3A_247 : i32 to index
        %parallel_loop3A_250 = arith.index_cast %parallel_loop3A_248 : i32 to index
        %parallel_loop3A_251 = arith.index_cast %parallel_loop3A_246 : i32 to index
        %parallel_loop3A_252 = tpu.vector_load %arg18[%parallel_loop3A_249, %parallel_loop3A_250, %parallel_loop3A_251] {strides = array<i32>} : memref<1x8x1024xf32, #tpu.memory_space<vmem>>, vector<16xf32>,
        tpu.vector_store %arg18[%parallel_loop3A_249, %parallel_loop3A_250, %parallel_loop3A_251], %parallel_loop3A_209 {strides = array<i32>} : memref<1x8x1024xf32, #tpu.memory_space<vmem>>, vector<16xf32>,
        %parallel_loop3A_253 = arith.constant 16 : i32
        %parallel_loop3A_254 = arith.muli %parallel_loop3A_198, %parallel_loop3A_253 : i32
        %parallel_loop3A_255 = arith.constant 0 : i32
        %parallel_loop3A_256 = arith.constant 5 : i32
        %parallel_loop3A_257 = arith.index_cast %parallel_loop3A_255 : i32 to index
        %parallel_loop3A_258 = arith.index_cast %parallel_loop3A_256 : i32 to index
        %parallel_loop3A_259 = arith.index_cast %parallel_loop3A_254 : i32 to index
        %parallel_loop3A_260 = tpu.vector_load %arg18[%parallel_loop3A_257, %parallel_loop3A_258, %parallel_loop3A_259] {strides = array<i32>} : memref<1x8x1024xf32, #tpu.memory_space<vmem>>, vector<16xf32>,
        tpu.vector_store %arg18[%parallel_loop3A_257, %parallel_loop3A_258, %parallel_loop3A_259], %parallel_loop3A_210 {strides = array<i32>} : memref<1x8x1024xf32, #tpu.memory_space<vmem>>, vector<16xf32>,
        %parallel_loop3A_261 = arith.constant 16 : i32
        %parallel_loop3A_262 = arith.muli %parallel_loop3A_198, %parallel_loop3A_261 : i32
        %parallel_loop3A_263 = arith.constant 0 : i32
        %parallel_loop3A_264 = arith.constant 6 : i32
        %parallel_loop3A_265 = arith.index_cast %parallel_loop3A_263 : i32 to index
        %parallel_loop3A_266 = arith.index_cast %parallel_loop3A_264 : i32 to index
        %parallel_loop3A_267 = arith.index_cast %parallel_loop3A_262 : i32 to index
        %parallel_loop3A_268 = tpu.vector_load %arg18[%parallel_loop3A_265, %parallel_loop3A_266, %parallel_loop3A_267] {strides = array<i32>} : memref<1x8x1024xf32, #tpu.memory_space<vmem>>, vector<16xf32>,
        tpu.vector_store %arg18[%parallel_loop3A_265, %parallel_loop3A_266, %parallel_loop3A_267], %parallel_loop3A_211 {strides = array<i32>} : memref<1x8x1024xf32, #tpu.memory_space<vmem>>, vector<16xf32>,
        %parallel_loop3A_269 = arith.constant 16 : i32
        %parallel_loop3A_270 = arith.muli %parallel_loop3A_198, %parallel_loop3A_269 : i32
        %parallel_loop3A_271 = arith.constant 0 : i32
        %parallel_loop3A_272 = arith.constant 7 : i32
        %parallel_loop3A_273 = arith.index_cast %parallel_loop3A_271 : i32 to index
        %parallel_loop3A_274 = arith.index_cast %parallel_loop3A_272 : i32 to index
        %parallel_loop3A_275 = arith.index_cast %parallel_loop3A_270 : i32 to index
        %parallel_loop3A_276 = tpu.vector_load %arg18[%parallel_loop3A_273, %parallel_loop3A_274, %parallel_loop3A_275] {strides = array<i32>} : memref<1x8x1024xf32, #tpu.memory_space<vmem>>, vector<16xf32>,
        tpu.vector_store %arg18[%parallel_loop3A_273, %parallel_loop3A_274, %parallel_loop3A_275], %parallel_loop3A_212 {strides = array<i32>} : memref<1x8x1024xf32, #tpu.memory_space<vmem>>, vector<16xf32>,
      } {sc.loop_unroll_factor = 4 : i64, sc.parallel_access}
      %add3A_136 = arith.addi %mul3A_33, %add3A_123 : i32
      %dma_start3A_137 = tpu.memref_slice %arg4[%add3A_136, %mul3A_8, %mul3A_31] : memref<2048x64x2048xf32, #tpu.memory_space<hbm>> -> memref<1x8x1024xf32, #tpu.memory_space<hbm>>
      %dma_start3A_138 = tpu.memref_slice %arg4[%add3A_136, %mul3A_8, %mul3A_31] : memref<2048x64x2048xf32, #tpu.memory_space<hbm>> -> memref<1x8x1024xf32, #tpu.memory_space<hbm>>
      tpu.enqueue_dma source(%arg18 : memref<1x8x1024xf32, #tpu.memory_space<vmem>>) target(%dma_start3A_138 : memref<1x8x1024xf32, #tpu.memory_space<hbm>>) target_semaphore(%arg26 : memref<!tpu.dma_semaphore, #tpu.memory_space<semaphore_mem>>)
      %add3A_139 = arith.constant 4 : i32
      %add3A_140 = arith.addi %add3A_123, %add3A_139 : i32
      %lt3A_141 = arith.constant 1024 : i32
      %lt3A_142 = arith.cmpi slt, %add3A_140, %lt3A_141 : i32
      %convert_element_type3A_143 = arith.extui %lt3A_142 : i1 to i32
      %cond3A_144 = arith.constant 0 : i32
      %cond3A_145 = arith.cmpi ne, %convert_element_type3A_143, %cond3A_144 : i32
      scf.if %cond3A_145 {
        %add3A_198 = arith.constant 4 : i32
        %add3A_199 = arith.addi %add3A_123, %add3A_198 : i32
        %add3A_200 = arith.addi %mul3A_33, %add3A_199 : i32
        %mul3A_201 = arith.constant 2048 : i32
        %mul3A_202 = arith.muli %add3A_200, %mul3A_201 : i32
        %add3A_203 = arith.addi %mul3A_202, %mul3A_31 : i32
        %dma_start3A_204 = tpu.memref_slice %arg2[%add3A_203] : memref<4194304xi32, #tpu.memory_space<hbm>> -> memref<1024xi32, #tpu.memory_space<hbm>>
        %dma_start3A_205 = tpu.memref_slice %arg2[%add3A_203] : memref<4194304xi32, #tpu.memory_space<hbm>> -> memref<1024xi32, #tpu.memory_space<hbm>>
        tpu.enqueue_dma source(%dma_start3A_205 : memref<1024xi32, #tpu.memory_space<hbm>>) target(%arg14 : memref<1024xi32, #tpu.memory_space<vmem>>) target_semaphore(%arg22 : memref<!tpu.dma_semaphore, #tpu.memory_space<semaphore_mem>>)
      } else {
      }
      %mul3A_146 = arith.constant 4 : i32
      %mul3A_147 = arith.muli %scan3A_97, %mul3A_146 : i32
      %add3A_148 = arith.constant 2 : i32
      %add3A_149 = arith.addi %mul3A_147, %add3A_148 : i32
      %dma_wait3A_150 = arith.constant 0 : i32
      %dma_wait3A_151 = tpu.memref_slice %arg2[%dma_wait3A_150] : memref<4194304xi32, #tpu.memory_space<hbm>> -> memref<1024xi32, #tpu.memory_space<hbm>>
      %dma_wait3A_152 = arith.constant 0 : i32
      %dma_wait3A_153 = tpu.memref_slice %arg2[%dma_wait3A_152] : memref<4194304xi32, #tpu.memory_space<hbm>> -> memref<1024xi32, #tpu.memory_space<hbm>>
      tpu.wait_dma2 semaphore(%arg23 : memref<!tpu.dma_semaphore, #tpu.memory_space<semaphore_mem>>) src(%dma_wait3A_153 : memref<1024xi32, #tpu.memory_space<hbm>>) dst(%arg15 : memref<1024xi32, #tpu.memory_space<vmem>>)
      %ge3A_154 = arith.constant 4 : i32
      %ge3A_155 = arith.cmpi sge, %add3A_149, %ge3A_154 : i32
      %convert_element_type3A_156 = arith.extui %ge3A_155 : i1 to i32
      %cond3A_157 = arith.constant 0 : i32
      %cond3A_158 = arith.cmpi ne, %convert_element_type3A_156, %cond3A_157 : i32
      scf.if %cond3A_158 {
        %dma_wait3A_198 = arith.constant 0 : i32
        %dma_wait3A_199 = tpu.memref_slice %arg4[%dma_wait3A_198, %mul3A_8, %mul3A_31] : memref<2048x64x2048xf32, #tpu.memory_space<hbm>> -> memref<1x8x1024xf32, #tpu.memory_space<hbm>>
        %dma_wait3A_200 = arith.constant 0 : i32
        %dma_wait3A_201 = tpu.memref_slice %arg4[%dma_wait3A_200, %mul3A_8, %mul3A_31] : memref<2048x64x2048xf32, #tpu.memory_space<hbm>> -> memref<1x8x1024xf32, #tpu.memory_space<hbm>>
        tpu.wait_dma2 semaphore(%arg27 : memref<!tpu.dma_semaphore, #tpu.memory_space<semaphore_mem>>) src(%arg19 : memref<1x8x1024xf32, #tpu.memory_space<vmem>>) dst(%dma_wait3A_201 : memref<1x8x1024xf32, #tpu.memory_space<hbm>>)
      } else {
      }
      %parallel_loop3A_159 = arith.constant 0 : i32
      %parallel_loop3A_160 = arith.constant 64 : i32
      %parallel_loop3A_161 = arith.constant 1 : i32
      scf.for %parallel_loop3A_198 = %parallel_loop3A_159 to %parallel_loop3A_160 step %parallel_loop3A_161  : i32 {
        %parallel_loop3A_199 = arith.constant 16 : i32
        %parallel_loop3A_200 = arith.muli %parallel_loop3A_198, %parallel_loop3A_199 : i32
        %parallel_loop3A_201 = arith.index_cast %parallel_loop3A_200 : i32 to index
        %parallel_loop3A_202 = tpu.vector_load %arg15[%parallel_loop3A_201] {strides = array<i32>} : memref<1024xi32, #tpu.memory_space<vmem>>, vector<16xi32>,
        %parallel_loop3A_203 = arith.constant 0 : i32
        %parallel_loop3A_204 = vector.broadcast %parallel_loop3A_203 : i32 to vector<16xi32>
        %parallel_loop3A_205 = tpu.vector_load_idx %arg5[%parallel_loop3A_204, %parallel_loop3A_202] : memref<1x4097xf32, #tpu.memory_space<vmem>>[vector<16xi32>, vector<16xi32>], vector<16xf32>,
        %parallel_loop3A_206 = tpu.vector_load_idx %arg6[%parallel_loop3A_204, %parallel_loop3A_202] : memref<1x4097xf32, #tpu.memory_space<vmem>>[vector<16xi32>, vector<16xi32>], vector<16xf32>,
        %parallel_loop3A_207 = tpu.vector_load_idx %arg7[%parallel_loop3A_204, %parallel_loop3A_202] : memref<1x4097xf32, #tpu.memory_space<vmem>>[vector<16xi32>, vector<16xi32>], vector<16xf32>,
        %parallel_loop3A_208 = tpu.vector_load_idx %arg8[%parallel_loop3A_204, %parallel_loop3A_202] : memref<1x4097xf32, #tpu.memory_space<vmem>>[vector<16xi32>, vector<16xi32>], vector<16xf32>,
        %parallel_loop3A_209 = tpu.vector_load_idx %arg9[%parallel_loop3A_204, %parallel_loop3A_202] : memref<1x4097xf32, #tpu.memory_space<vmem>>[vector<16xi32>, vector<16xi32>], vector<16xf32>,
        %parallel_loop3A_210 = tpu.vector_load_idx %arg10[%parallel_loop3A_204, %parallel_loop3A_202] : memref<1x4097xf32, #tpu.memory_space<vmem>>[vector<16xi32>, vector<16xi32>], vector<16xf32>,
        %parallel_loop3A_211 = tpu.vector_load_idx %arg11[%parallel_loop3A_204, %parallel_loop3A_202] : memref<1x4097xf32, #tpu.memory_space<vmem>>[vector<16xi32>, vector<16xi32>], vector<16xf32>,
        %parallel_loop3A_212 = tpu.vector_load_idx %arg12[%parallel_loop3A_204, %parallel_loop3A_202] : memref<1x4097xf32, #tpu.memory_space<vmem>>[vector<16xi32>, vector<16xi32>], vector<16xf32>,
        %parallel_loop3A_213 = arith.constant 16 : i32
        %parallel_loop3A_214 = arith.muli %parallel_loop3A_198, %parallel_loop3A_213 : i32
        %parallel_loop3A_215 = arith.constant 0 : i32
        %parallel_loop3A_216 = arith.constant 0 : i32
        %parallel_loop3A_217 = arith.index_cast %parallel_loop3A_215 : i32 to index
        %parallel_loop3A_218 = arith.index_cast %parallel_loop3A_216 : i32 to index
        %parallel_loop3A_219 = arith.index_cast %parallel_loop3A_214 : i32 to index
        %parallel_loop3A_220 = tpu.vector_load %arg19[%parallel_loop3A_217, %parallel_loop3A_218, %parallel_loop3A_219] {strides = array<i32>} : memref<1x8x1024xf32, #tpu.memory_space<vmem>>, vector<16xf32>,
        tpu.vector_store %arg19[%parallel_loop3A_217, %parallel_loop3A_218, %parallel_loop3A_219], %parallel_loop3A_205 {strides = array<i32>} : memref<1x8x1024xf32, #tpu.memory_space<vmem>>, vector<16xf32>,
        %parallel_loop3A_221 = arith.constant 16 : i32
        %parallel_loop3A_222 = arith.muli %parallel_loop3A_198, %parallel_loop3A_221 : i32
        %parallel_loop3A_223 = arith.constant 0 : i32
        %parallel_loop3A_224 = arith.constant 1 : i32
        %parallel_loop3A_225 = arith.index_cast %parallel_loop3A_223 : i32 to index
        %parallel_loop3A_226 = arith.index_cast %parallel_loop3A_224 : i32 to index
        %parallel_loop3A_227 = arith.index_cast %parallel_loop3A_222 : i32 to index
        %parallel_loop3A_228 = tpu.vector_load %arg19[%parallel_loop3A_225, %parallel_loop3A_226, %parallel_loop3A_227] {strides = array<i32>} : memref<1x8x1024xf32, #tpu.memory_space<vmem>>, vector<16xf32>,
        tpu.vector_store %arg19[%parallel_loop3A_225, %parallel_loop3A_226, %parallel_loop3A_227], %parallel_loop3A_206 {strides = array<i32>} : memref<1x8x1024xf32, #tpu.memory_space<vmem>>, vector<16xf32>,
        %parallel_loop3A_229 = arith.constant 16 : i32
        %parallel_loop3A_230 = arith.muli %parallel_loop3A_198, %parallel_loop3A_229 : i32
        %parallel_loop3A_231 = arith.constant 0 : i32
        %parallel_loop3A_232 = arith.constant 2 : i32
        %parallel_loop3A_233 = arith.index_cast %parallel_loop3A_231 : i32 to index
        %parallel_loop3A_234 = arith.index_cast %parallel_loop3A_232 : i32 to index
        %parallel_loop3A_235 = arith.index_cast %parallel_loop3A_230 : i32 to index
        %parallel_loop3A_236 = tpu.vector_load %arg19[%parallel_loop3A_233, %parallel_loop3A_234, %parallel_loop3A_235] {strides = array<i32>} : memref<1x8x1024xf32, #tpu.memory_space<vmem>>, vector<16xf32>,
        tpu.vector_store %arg19[%parallel_loop3A_233, %parallel_loop3A_234, %parallel_loop3A_235], %parallel_loop3A_207 {strides = array<i32>} : memref<1x8x1024xf32, #tpu.memory_space<vmem>>, vector<16xf32>,
        %parallel_loop3A_237 = arith.constant 16 : i32
        %parallel_loop3A_238 = arith.muli %parallel_loop3A_198, %parallel_loop3A_237 : i32
        %parallel_loop3A_239 = arith.constant 0 : i32
        %parallel_loop3A_240 = arith.constant 3 : i32
        %parallel_loop3A_241 = arith.index_cast %parallel_loop3A_239 : i32 to index
        %parallel_loop3A_242 = arith.index_cast %parallel_loop3A_240 : i32 to index
        %parallel_loop3A_243 = arith.index_cast %parallel_loop3A_238 : i32 to index
        %parallel_loop3A_244 = tpu.vector_load %arg19[%parallel_loop3A_241, %parallel_loop3A_242, %parallel_loop3A_243] {strides = array<i32>} : memref<1x8x1024xf32, #tpu.memory_space<vmem>>, vector<16xf32>,
        tpu.vector_store %arg19[%parallel_loop3A_241, %parallel_loop3A_242, %parallel_loop3A_243], %parallel_loop3A_208 {strides = array<i32>} : memref<1x8x1024xf32, #tpu.memory_space<vmem>>, vector<16xf32>,
        %parallel_loop3A_245 = arith.constant 16 : i32
        %parallel_loop3A_246 = arith.muli %parallel_loop3A_198, %parallel_loop3A_245 : i32
        %parallel_loop3A_247 = arith.constant 0 : i32
        %parallel_loop3A_248 = arith.constant 4 : i32
        %parallel_loop3A_249 = arith.index_cast %parallel_loop3A_247 : i32 to index
        %parallel_loop3A_250 = arith.index_cast %parallel_loop3A_248 : i32 to index
        %parallel_loop3A_251 = arith.index_cast %parallel_loop3A_246 : i32 to index
        %parallel_loop3A_252 = tpu.vector_load %arg19[%parallel_loop3A_249, %parallel_loop3A_250, %parallel_loop3A_251] {strides = array<i32>} : memref<1x8x1024xf32, #tpu.memory_space<vmem>>, vector<16xf32>,
        tpu.vector_store %arg19[%parallel_loop3A_249, %parallel_loop3A_250, %parallel_loop3A_251], %parallel_loop3A_209 {strides = array<i32>} : memref<1x8x1024xf32, #tpu.memory_space<vmem>>, vector<16xf32>,
        %parallel_loop3A_253 = arith.constant 16 : i32
        %parallel_loop3A_254 = arith.muli %parallel_loop3A_198, %parallel_loop3A_253 : i32
        %parallel_loop3A_255 = arith.constant 0 : i32
        %parallel_loop3A_256 = arith.constant 5 : i32
        %parallel_loop3A_257 = arith.index_cast %parallel_loop3A_255 : i32 to index
        %parallel_loop3A_258 = arith.index_cast %parallel_loop3A_256 : i32 to index
        %parallel_loop3A_259 = arith.index_cast %parallel_loop3A_254 : i32 to index
        %parallel_loop3A_260 = tpu.vector_load %arg19[%parallel_loop3A_257, %parallel_loop3A_258, %parallel_loop3A_259] {strides = array<i32>} : memref<1x8x1024xf32, #tpu.memory_space<vmem>>, vector<16xf32>,
        tpu.vector_store %arg19[%parallel_loop3A_257, %parallel_loop3A_258, %parallel_loop3A_259], %parallel_loop3A_210 {strides = array<i32>} : memref<1x8x1024xf32, #tpu.memory_space<vmem>>, vector<16xf32>,
        %parallel_loop3A_261 = arith.constant 16 : i32
        %parallel_loop3A_262 = arith.muli %parallel_loop3A_198, %parallel_loop3A_261 : i32
        %parallel_loop3A_263 = arith.constant 0 : i32
        %parallel_loop3A_264 = arith.constant 6 : i32
        %parallel_loop3A_265 = arith.index_cast %parallel_loop3A_263 : i32 to index
        %parallel_loop3A_266 = arith.index_cast %parallel_loop3A_264 : i32 to index
        %parallel_loop3A_267 = arith.index_cast %parallel_loop3A_262 : i32 to index
        %parallel_loop3A_268 = tpu.vector_load %arg19[%parallel_loop3A_265, %parallel_loop3A_266, %parallel_loop3A_267] {strides = array<i32>} : memref<1x8x1024xf32, #tpu.memory_space<vmem>>, vector<16xf32>,
        tpu.vector_store %arg19[%parallel_loop3A_265, %parallel_loop3A_266, %parallel_loop3A_267], %parallel_loop3A_211 {strides = array<i32>} : memref<1x8x1024xf32, #tpu.memory_space<vmem>>, vector<16xf32>,
        %parallel_loop3A_269 = arith.constant 16 : i32
        %parallel_loop3A_270 = arith.muli %parallel_loop3A_198, %parallel_loop3A_269 : i32
        %parallel_loop3A_271 = arith.constant 0 : i32
        %parallel_loop3A_272 = arith.constant 7 : i32
        %parallel_loop3A_273 = arith.index_cast %parallel_loop3A_271 : i32 to index
        %parallel_loop3A_274 = arith.index_cast %parallel_loop3A_272 : i32 to index
        %parallel_loop3A_275 = arith.index_cast %parallel_loop3A_270 : i32 to index
        %parallel_loop3A_276 = tpu.vector_load %arg19[%parallel_loop3A_273, %parallel_loop3A_274, %parallel_loop3A_275] {strides = array<i32>} : memref<1x8x1024xf32, #tpu.memory_space<vmem>>, vector<16xf32>,
        tpu.vector_store %arg19[%parallel_loop3A_273, %parallel_loop3A_274, %parallel_loop3A_275], %parallel_loop3A_212 {strides = array<i32>} : memref<1x8x1024xf32, #tpu.memory_space<vmem>>, vector<16xf32>,
      } {sc.loop_unroll_factor = 4 : i64, sc.parallel_access}
      %add3A_162 = arith.addi %mul3A_33, %add3A_149 : i32
      %dma_start3A_163 = tpu.memref_slice %arg4[%add3A_162, %mul3A_8, %mul3A_31] : memref<2048x64x2048xf32, #tpu.memory_space<hbm>> -> memref<1x8x1024xf32, #tpu.memory_space<hbm>>
      %dma_start3A_164 = tpu.memref_slice %arg4[%add3A_162, %mul3A_8, %mul3A_31] : memref<2048x64x2048xf32, #tpu.memory_space<hbm>> -> memref<1x8x1024xf32, #tpu.memory_space<hbm>>
      tpu.enqueue_dma source(%arg19 : memref<1x8x1024xf32, #tpu.memory_space<vmem>>) target(%dma_start3A_164 : memref<1x8x1024xf32, #tpu.memory_space<hbm>>) target_semaphore(%arg27 : memref<!tpu.dma_semaphore, #tpu.memory_space<semaphore_mem>>)
      %add3A_165 = arith.constant 4 : i32
      %add3A_166 = arith.addi %add3A_149, %add3A_165 : i32
      %lt3A_167 = arith.constant 1024 : i32
      %lt3A_168 = arith.cmpi slt, %add3A_166, %lt3A_167 : i32
      %convert_element_type3A_169 = arith.extui %lt3A_168 : i1 to i32
      %cond3A_170 = arith.constant 0 : i32
      %cond3A_171 = arith.cmpi ne, %convert_element_type3A_169, %cond3A_170 : i32
      scf.if %cond3A_171 {
        %add3A_198 = arith.constant 4 : i32
        %add3A_199 = arith.addi %add3A_149, %add3A_198 : i32
        %add3A_200 = arith.addi %mul3A_33, %add3A_199 : i32
        %mul3A_201 = arith.constant 2048 : i32
        %mul3A_202 = arith.muli %add3A_200, %mul3A_201 : i32
        %add3A_203 = arith.addi %mul3A_202, %mul3A_31 : i32
        %dma_start3A_204 = tpu.memref_slice %arg2[%add3A_203] : memref<4194304xi32, #tpu.memory_space<hbm>> -> memref<1024xi32, #tpu.memory_space<hbm>>
        %dma_start3A_205 = tpu.memref_slice %arg2[%add3A_203] : memref<4194304xi32, #tpu.memory_space<hbm>> -> memref<1024xi32, #tpu.memory_space<hbm>>
        tpu.enqueue_dma source(%dma_start3A_205 : memref<1024xi32, #tpu.memory_space<hbm>>) target(%arg15 : memref<1024xi32, #tpu.memory_space<vmem>>) target_semaphore(%arg23 : memref<!tpu.dma_semaphore, #tpu.memory_space<semaphore_mem>>)
      } else {
      }
      %mul3A_172 = arith.constant 4 : i32
      %mul3A_173 = arith.muli %scan3A_97, %mul3A_172 : i32
      %add3A_174 = arith.constant 3 : i32
      %add3A_175 = arith.addi %mul3A_173, %add3A_174 : i32
      %dma_wait3A_176 = arith.constant 0 : i32
      %dma_wait3A_177 = tpu.memref_slice %arg2[%dma_wait3A_176] : memref<4194304xi32, #tpu.memory_space<hbm>> -> memref<1024xi32, #tpu.memory_space<hbm>>
      %dma_wait3A_178 = arith.constant 0 : i32
      %dma_wait3A_179 = tpu.memref_slice %arg2[%dma_wait3A_178] : memref<4194304xi32, #tpu.memory_space<hbm>> -> memref<1024xi32, #tpu.memory_space<hbm>>
      tpu.wait_dma2 semaphore(%arg24 : memref<!tpu.dma_semaphore, #tpu.memory_space<semaphore_mem>>) src(%dma_wait3A_179 : memref<1024xi32, #tpu.memory_space<hbm>>) dst(%arg16 : memref<1024xi32, #tpu.memory_space<vmem>>)
      %ge3A_180 = arith.constant 4 : i32
      %ge3A_181 = arith.cmpi sge, %add3A_175, %ge3A_180 : i32
      %convert_element_type3A_182 = arith.extui %ge3A_181 : i1 to i32
      %cond3A_183 = arith.constant 0 : i32
      %cond3A_184 = arith.cmpi ne, %convert_element_type3A_182, %cond3A_183 : i32
      scf.if %cond3A_184 {
        %dma_wait3A_198 = arith.constant 0 : i32
        %dma_wait3A_199 = tpu.memref_slice %arg4[%dma_wait3A_198, %mul3A_8, %mul3A_31] : memref<2048x64x2048xf32, #tpu.memory_space<hbm>> -> memref<1x8x1024xf32, #tpu.memory_space<hbm>>
        %dma_wait3A_200 = arith.constant 0 : i32
        %dma_wait3A_201 = tpu.memref_slice %arg4[%dma_wait3A_200, %mul3A_8, %mul3A_31] : memref<2048x64x2048xf32, #tpu.memory_space<hbm>> -> memref<1x8x1024xf32, #tpu.memory_space<hbm>>
        tpu.wait_dma2 semaphore(%arg28 : memref<!tpu.dma_semaphore, #tpu.memory_space<semaphore_mem>>) src(%arg20 : memref<1x8x1024xf32, #tpu.memory_space<vmem>>) dst(%dma_wait3A_201 : memref<1x8x1024xf32, #tpu.memory_space<hbm>>)
      } else {
      }
      %parallel_loop3A_185 = arith.constant 0 : i32
      %parallel_loop3A_186 = arith.constant 64 : i32
      %parallel_loop3A_187 = arith.constant 1 : i32
      scf.for %parallel_loop3A_198 = %parallel_loop3A_185 to %parallel_loop3A_186 step %parallel_loop3A_187  : i32 {
        %parallel_loop3A_199 = arith.constant 16 : i32
        %parallel_loop3A_200 = arith.muli %parallel_loop3A_198, %parallel_loop3A_199 : i32
        %parallel_loop3A_201 = arith.index_cast %parallel_loop3A_200 : i32 to index
        %parallel_loop3A_202 = tpu.vector_load %arg16[%parallel_loop3A_201] {strides = array<i32>} : memref<1024xi32, #tpu.memory_space<vmem>>, vector<16xi32>,
        %parallel_loop3A_203 = arith.constant 0 : i32
        %parallel_loop3A_204 = vector.broadcast %parallel_loop3A_203 : i32 to vector<16xi32>
        %parallel_loop3A_205 = tpu.vector_load_idx %arg5[%parallel_loop3A_204, %parallel_loop3A_202] : memref<1x4097xf32, #tpu.memory_space<vmem>>[vector<16xi32>, vector<16xi32>], vector<16xf32>,
        %parallel_loop3A_206 = tpu.vector_load_idx %arg6[%parallel_loop3A_204, %parallel_loop3A_202] : memref<1x4097xf32, #tpu.memory_space<vmem>>[vector<16xi32>, vector<16xi32>], vector<16xf32>,
        %parallel_loop3A_207 = tpu.vector_load_idx %arg7[%parallel_loop3A_204, %parallel_loop3A_202] : memref<1x4097xf32, #tpu.memory_space<vmem>>[vector<16xi32>, vector<16xi32>], vector<16xf32>,
        %parallel_loop3A_208 = tpu.vector_load_idx %arg8[%parallel_loop3A_204, %parallel_loop3A_202] : memref<1x4097xf32, #tpu.memory_space<vmem>>[vector<16xi32>, vector<16xi32>], vector<16xf32>,
        %parallel_loop3A_209 = tpu.vector_load_idx %arg9[%parallel_loop3A_204, %parallel_loop3A_202] : memref<1x4097xf32, #tpu.memory_space<vmem>>[vector<16xi32>, vector<16xi32>], vector<16xf32>,
        %parallel_loop3A_210 = tpu.vector_load_idx %arg10[%parallel_loop3A_204, %parallel_loop3A_202] : memref<1x4097xf32, #tpu.memory_space<vmem>>[vector<16xi32>, vector<16xi32>], vector<16xf32>,
        %parallel_loop3A_211 = tpu.vector_load_idx %arg11[%parallel_loop3A_204, %parallel_loop3A_202] : memref<1x4097xf32, #tpu.memory_space<vmem>>[vector<16xi32>, vector<16xi32>], vector<16xf32>,
        %parallel_loop3A_212 = tpu.vector_load_idx %arg12[%parallel_loop3A_204, %parallel_loop3A_202] : memref<1x4097xf32, #tpu.memory_space<vmem>>[vector<16xi32>, vector<16xi32>], vector<16xf32>,
        %parallel_loop3A_213 = arith.constant 16 : i32
        %parallel_loop3A_214 = arith.muli %parallel_loop3A_198, %parallel_loop3A_213 : i32
        %parallel_loop3A_215 = arith.constant 0 : i32
        %parallel_loop3A_216 = arith.constant 0 : i32
        %parallel_loop3A_217 = arith.index_cast %parallel_loop3A_215 : i32 to index
        %parallel_loop3A_218 = arith.index_cast %parallel_loop3A_216 : i32 to index
        %parallel_loop3A_219 = arith.index_cast %parallel_loop3A_214 : i32 to index
        %parallel_loop3A_220 = tpu.vector_load %arg20[%parallel_loop3A_217, %parallel_loop3A_218, %parallel_loop3A_219] {strides = array<i32>} : memref<1x8x1024xf32, #tpu.memory_space<vmem>>, vector<16xf32>,
        tpu.vector_store %arg20[%parallel_loop3A_217, %parallel_loop3A_218, %parallel_loop3A_219], %parallel_loop3A_205 {strides = array<i32>} : memref<1x8x1024xf32, #tpu.memory_space<vmem>>, vector<16xf32>,
        %parallel_loop3A_221 = arith.constant 16 : i32
        %parallel_loop3A_222 = arith.muli %parallel_loop3A_198, %parallel_loop3A_221 : i32
        %parallel_loop3A_223 = arith.constant 0 : i32
        %parallel_loop3A_224 = arith.constant 1 : i32
        %parallel_loop3A_225 = arith.index_cast %parallel_loop3A_223 : i32 to index
        %parallel_loop3A_226 = arith.index_cast %parallel_loop3A_224 : i32 to index
        %parallel_loop3A_227 = arith.index_cast %parallel_loop3A_222 : i32 to index
        %parallel_loop3A_228 = tpu.vector_load %arg20[%parallel_loop3A_225, %parallel_loop3A_226, %parallel_loop3A_227] {strides = array<i32>} : memref<1x8x1024xf32, #tpu.memory_space<vmem>>, vector<16xf32>,
        tpu.vector_store %arg20[%parallel_loop3A_225, %parallel_loop3A_226, %parallel_loop3A_227], %parallel_loop3A_206 {strides = array<i32>} : memref<1x8x1024xf32, #tpu.memory_space<vmem>>, vector<16xf32>,
        %parallel_loop3A_229 = arith.constant 16 : i32
        %parallel_loop3A_230 = arith.muli %parallel_loop3A_198, %parallel_loop3A_229 : i32
        %parallel_loop3A_231 = arith.constant 0 : i32
        %parallel_loop3A_232 = arith.constant 2 : i32
        %parallel_loop3A_233 = arith.index_cast %parallel_loop3A_231 : i32 to index
        %parallel_loop3A_234 = arith.index_cast %parallel_loop3A_232 : i32 to index
        %parallel_loop3A_235 = arith.index_cast %parallel_loop3A_230 : i32 to index
        %parallel_loop3A_236 = tpu.vector_load %arg20[%parallel_loop3A_233, %parallel_loop3A_234, %parallel_loop3A_235] {strides = array<i32>} : memref<1x8x1024xf32, #tpu.memory_space<vmem>>, vector<16xf32>,
        tpu.vector_store %arg20[%parallel_loop3A_233, %parallel_loop3A_234, %parallel_loop3A_235], %parallel_loop3A_207 {strides = array<i32>} : memref<1x8x1024xf32, #tpu.memory_space<vmem>>, vector<16xf32>,
        %parallel_loop3A_237 = arith.constant 16 : i32
        %parallel_loop3A_238 = arith.muli %parallel_loop3A_198, %parallel_loop3A_237 : i32
        %parallel_loop3A_239 = arith.constant 0 : i32
        %parallel_loop3A_240 = arith.constant 3 : i32
        %parallel_loop3A_241 = arith.index_cast %parallel_loop3A_239 : i32 to index
        %parallel_loop3A_242 = arith.index_cast %parallel_loop3A_240 : i32 to index
        %parallel_loop3A_243 = arith.index_cast %parallel_loop3A_238 : i32 to index
        %parallel_loop3A_244 = tpu.vector_load %arg20[%parallel_loop3A_241, %parallel_loop3A_242, %parallel_loop3A_243] {strides = array<i32>} : memref<1x8x1024xf32, #tpu.memory_space<vmem>>, vector<16xf32>,
        tpu.vector_store %arg20[%parallel_loop3A_241, %parallel_loop3A_242, %parallel_loop3A_243], %parallel_loop3A_208 {strides = array<i32>} : memref<1x8x1024xf32, #tpu.memory_space<vmem>>, vector<16xf32>,
        %parallel_loop3A_245 = arith.constant 16 : i32
        %parallel_loop3A_246 = arith.muli %parallel_loop3A_198, %parallel_loop3A_245 : i32
        %parallel_loop3A_247 = arith.constant 0 : i32
        %parallel_loop3A_248 = arith.constant 4 : i32
        %parallel_loop3A_249 = arith.index_cast %parallel_loop3A_247 : i32 to index
        %parallel_loop3A_250 = arith.index_cast %parallel_loop3A_248 : i32 to index
        %parallel_loop3A_251 = arith.index_cast %parallel_loop3A_246 : i32 to index
        %parallel_loop3A_252 = tpu.vector_load %arg20[%parallel_loop3A_249, %parallel_loop3A_250, %parallel_loop3A_251] {strides = array<i32>} : memref<1x8x1024xf32, #tpu.memory_space<vmem>>, vector<16xf32>,
        tpu.vector_store %arg20[%parallel_loop3A_249, %parallel_loop3A_250, %parallel_loop3A_251], %parallel_loop3A_209 {strides = array<i32>} : memref<1x8x1024xf32, #tpu.memory_space<vmem>>, vector<16xf32>,
        %parallel_loop3A_253 = arith.constant 16 : i32
        %parallel_loop3A_254 = arith.muli %parallel_loop3A_198, %parallel_loop3A_253 : i32
        %parallel_loop3A_255 = arith.constant 0 : i32
        %parallel_loop3A_256 = arith.constant 5 : i32
        %parallel_loop3A_257 = arith.index_cast %parallel_loop3A_255 : i32 to index
        %parallel_loop3A_258 = arith.index_cast %parallel_loop3A_256 : i32 to index
        %parallel_loop3A_259 = arith.index_cast %parallel_loop3A_254 : i32 to index
        %parallel_loop3A_260 = tpu.vector_load %arg20[%parallel_loop3A_257, %parallel_loop3A_258, %parallel_loop3A_259] {strides = array<i32>} : memref<1x8x1024xf32, #tpu.memory_space<vmem>>, vector<16xf32>,
        tpu.vector_store %arg20[%parallel_loop3A_257, %parallel_loop3A_258, %parallel_loop3A_259], %parallel_loop3A_210 {strides = array<i32>} : memref<1x8x1024xf32, #tpu.memory_space<vmem>>, vector<16xf32>,
        %parallel_loop3A_261 = arith.constant 16 : i32
        %parallel_loop3A_262 = arith.muli %parallel_loop3A_198, %parallel_loop3A_261 : i32
        %parallel_loop3A_263 = arith.constant 0 : i32
        %parallel_loop3A_264 = arith.constant 6 : i32
        %parallel_loop3A_265 = arith.index_cast %parallel_loop3A_263 : i32 to index
        %parallel_loop3A_266 = arith.index_cast %parallel_loop3A_264 : i32 to index
        %parallel_loop3A_267 = arith.index_cast %parallel_loop3A_262 : i32 to index
        %parallel_loop3A_268 = tpu.vector_load %arg20[%parallel_loop3A_265, %parallel_loop3A_266, %parallel_loop3A_267] {strides = array<i32>} : memref<1x8x1024xf32, #tpu.memory_space<vmem>>, vector<16xf32>,
        tpu.vector_store %arg20[%parallel_loop3A_265, %parallel_loop3A_266, %parallel_loop3A_267], %parallel_loop3A_211 {strides = array<i32>} : memref<1x8x1024xf32, #tpu.memory_space<vmem>>, vector<16xf32>,
        %parallel_loop3A_269 = arith.constant 16 : i32
        %parallel_loop3A_270 = arith.muli %parallel_loop3A_198, %parallel_loop3A_269 : i32
        %parallel_loop3A_271 = arith.constant 0 : i32
        %parallel_loop3A_272 = arith.constant 7 : i32
        %parallel_loop3A_273 = arith.index_cast %parallel_loop3A_271 : i32 to index
        %parallel_loop3A_274 = arith.index_cast %parallel_loop3A_272 : i32 to index
        %parallel_loop3A_275 = arith.index_cast %parallel_loop3A_270 : i32 to index
        %parallel_loop3A_276 = tpu.vector_load %arg20[%parallel_loop3A_273, %parallel_loop3A_274, %parallel_loop3A_275] {strides = array<i32>} : memref<1x8x1024xf32, #tpu.memory_space<vmem>>, vector<16xf32>,
        tpu.vector_store %arg20[%parallel_loop3A_273, %parallel_loop3A_274, %parallel_loop3A_275], %parallel_loop3A_212 {strides = array<i32>} : memref<1x8x1024xf32, #tpu.memory_space<vmem>>, vector<16xf32>,
      } {sc.loop_unroll_factor = 4 : i64, sc.parallel_access}
      %add3A_188 = arith.addi %mul3A_33, %add3A_175 : i32
      %dma_start3A_189 = tpu.memref_slice %arg4[%add3A_188, %mul3A_8, %mul3A_31] : memref<2048x64x2048xf32, #tpu.memory_space<hbm>> -> memref<1x8x1024xf32, #tpu.memory_space<hbm>>
      %dma_start3A_190 = tpu.memref_slice %arg4[%add3A_188, %mul3A_8, %mul3A_31] : memref<2048x64x2048xf32, #tpu.memory_space<hbm>> -> memref<1x8x1024xf32, #tpu.memory_space<hbm>>
      tpu.enqueue_dma source(%arg20 : memref<1x8x1024xf32, #tpu.memory_space<vmem>>) target(%dma_start3A_190 : memref<1x8x1024xf32, #tpu.memory_space<hbm>>) target_semaphore(%arg28 : memref<!tpu.dma_semaphore, #tpu.memory_space<semaphore_mem>>)
      %add3A_191 = arith.constant 4 : i32
      %add3A_192 = arith.addi %add3A_175, %add3A_191 : i32
      %lt3A_193 = arith.constant 1024 : i32
      %lt3A_194 = arith.cmpi slt, %add3A_192, %lt3A_193 : i32
      %convert_element_type3A_195 = arith.extui %lt3A_194 : i1 to i32
      %cond3A_196 = arith.constant 0 : i32
      %cond3A_197 = arith.cmpi ne, %convert_element_type3A_195, %cond3A_196 : i32
      scf.if %cond3A_197 {
        %add3A_198 = arith.constant 4 : i32
        %add3A_199 = arith.addi %add3A_175, %add3A_198 : i32
        %add3A_200 = arith.addi %mul3A_33, %add3A_199 : i32
        %mul3A_201 = arith.constant 2048 : i32
        %mul3A_202 = arith.muli %add3A_200, %mul3A_201 : i32
        %add3A_203 = arith.addi %mul3A_202, %mul3A_31 : i32
        %dma_start3A_204 = tpu.memref_slice %arg2[%add3A_203] : memref<4194304xi32, #tpu.memory_space<hbm>> -> memref<1024xi32, #tpu.memory_space<hbm>>
        %dma_start3A_205 = tpu.memref_slice %arg2[%add3A_203] : memref<4194304xi32, #tpu.memory_space<hbm>> -> memref<1024xi32, #tpu.memory_space<hbm>>
        tpu.enqueue_dma source(%dma_start3A_205 : memref<1024xi32, #tpu.memory_space<hbm>>) target(%arg16 : memref<1024xi32, #tpu.memory_space<vmem>>) target_semaphore(%arg24 : memref<!tpu.dma_semaphore, #tpu.memory_space<semaphore_mem>>)
      } else {
      }
    }
    %scan3A_81 = arith.constant 256 : i32
    %dma_wait3A = arith.constant 0 : i32
    %dma_wait3A_82 = tpu.memref_slice %arg4[%dma_wait3A, %mul3A_8, %mul3A_31] : memref<2048x64x2048xf32, #tpu.memory_space<hbm>> -> memref<1x8x1024xf32, #tpu.memory_space<hbm>>
    %dma_wait3A_83 = arith.constant 0 : i32
    %dma_wait3A_84 = tpu.memref_slice %arg4[%dma_wait3A_83, %mul3A_8, %mul3A_31] : memref<2048x64x2048xf32, #tpu.memory_space<hbm>> -> memref<1x8x1024xf32, #tpu.memory_space<hbm>>
    tpu.wait_dma2 semaphore(%arg25 : memref<!tpu.dma_semaphore, #tpu.memory_space<semaphore_mem>>) src(%arg17 : memref<1x8x1024xf32, #tpu.memory_space<vmem>>) dst(%dma_wait3A_84 : memref<1x8x1024xf32, #tpu.memory_space<hbm>>)
    %dma_wait3A_85 = arith.constant 0 : i32
    %dma_wait3A_86 = tpu.memref_slice %arg4[%dma_wait3A_85, %mul3A_8, %mul3A_31] : memref<2048x64x2048xf32, #tpu.memory_space<hbm>> -> memref<1x8x1024xf32, #tpu.memory_space<hbm>>
    %dma_wait3A_87 = arith.constant 0 : i32
    %dma_wait3A_88 = tpu.memref_slice %arg4[%dma_wait3A_87, %mul3A_8, %mul3A_31] : memref<2048x64x2048xf32, #tpu.memory_space<hbm>> -> memref<1x8x1024xf32, #tpu.memory_space<hbm>>
    tpu.wait_dma2 semaphore(%arg26 : memref<!tpu.dma_semaphore, #tpu.memory_space<semaphore_mem>>) src(%arg18 : memref<1x8x1024xf32, #tpu.memory_space<vmem>>) dst(%dma_wait3A_88 : memref<1x8x1024xf32, #tpu.memory_space<hbm>>)
    %dma_wait3A_89 = arith.constant 0 : i32
    %dma_wait3A_90 = tpu.memref_slice %arg4[%dma_wait3A_89, %mul3A_8, %mul3A_31] : memref<2048x64x2048xf32, #tpu.memory_space<hbm>> -> memref<1x8x1024xf32, #tpu.memory_space<hbm>>
    %dma_wait3A_91 = arith.constant 0 : i32
    %dma_wait3A_92 = tpu.memref_slice %arg4[%dma_wait3A_91, %mul3A_8, %mul3A_31] : memref<2048x64x2048xf32, #tpu.memory_space<hbm>> -> memref<1x8x1024xf32, #tpu.memory_space<hbm>>
    tpu.wait_dma2 semaphore(%arg27 : memref<!tpu.dma_semaphore, #tpu.memory_space<semaphore_mem>>) src(%arg19 : memref<1x8x1024xf32, #tpu.memory_space<vmem>>) dst(%dma_wait3A_92 : memref<1x8x1024xf32, #tpu.memory_space<hbm>>)
    %dma_wait3A_93 = arith.constant 0 : i32
    %dma_wait3A_94 = tpu.memref_slice %arg4[%dma_wait3A_93, %mul3A_8, %mul3A_31] : memref<2048x64x2048xf32, #tpu.memory_space<hbm>> -> memref<1x8x1024xf32, #tpu.memory_space<hbm>>
    %dma_wait3A_95 = arith.constant 0 : i32
    %dma_wait3A_96 = tpu.memref_slice %arg4[%dma_wait3A_95, %mul3A_8, %mul3A_31] : memref<2048x64x2048xf32, #tpu.memory_space<hbm>> -> memref<1x8x1024xf32, #tpu.memory_space<hbm>>
    tpu.wait_dma2 semaphore(%arg28 : memref<!tpu.dma_semaphore, #tpu.memory_space<semaphore_mem>>) src(%arg20 : memref<1x8x1024xf32, #tpu.memory_space<vmem>>) dst(%dma_wait3A_96 : memref<1x8x1024xf32, #tpu.memory_space<hbm>>)
    return
  }
}

</mosaic_0001>

<sc_bundles>
// kernel: kernel.3.cloned.1.call-start
scs
__scs_entry_jumppad:
0x0: {  	(pc) =	sbr.rel $0x88, $3  }
0x1: {  	(tag) =	ssettag $0x0;
	lr =	simm.s32 $0x1  }
0x2: {  	[smem:$0x3F9F] =	sst lr;
	_ =	strace $0xD0000000  }
0x3: {  	_ = 	snop  }
0x4: {  	_ = 	snop  }
0x5: {  	_ = 	snop  }
0x6: {  	_ = 	snop  }
0x7: {  	_ = 	snop  }
__scs_overlays_trampoline_lowered:
0x8: {  	[smem:$0x3FAE] =	sst s0  }
0x9: {  	[smem:$0x3FAF] =	sst s1  }
0xa: {  	[smem:$0x3FB0] =	sst s2  }
0xb: {  	[smem:$0x3FB1] =	sst s3  }
0xc: {  	[smem:$0x3FB2] =	sst s4  }
0xd: {  	[smem:$0x3FB3] =	sst s5  }
0xe: {  	[smem:$0x3FB4] =	sst s6  }
0xf: {  	[smem:$0x3FB5] =	sst s7  }
0x10: {  	[smem:$0x3FB6] =	sst s8  }
0x11: {  	[smem:$0x3FB7] =	sst s9;
	s0 =	simm.s32 @!p0 $0x0  }
0x12: {  	s1 =	sld [smem:$0x3F9D];
	s0 =	simm.s32 @p0 $0x1  }
0x13: {  	[smem:$0x3FB8] =	sst s0;
	s0 =	simm.s32 @!p1 $0x0  }
0x14: {  	s2 =	sld [smem:$0x3F9C];
	s0 =	simm.s32 @p1 $0x1  }
0x15: {  	[smem:$0x3FB9] =	sst s0;
	s0 =	simm.s32 @!p2 $0x0  }
0x16: {  	s3 =	sld [smem:$0x3FDB];
	s0 =	simm.s32 @p2 $0x1  }
0x17: {  	s4 =	simm.s32 $0x1BF5;
	[smem:$0x3FBB] =	sst s0  }
0x18: {  	s0 =	sld [smem:$0x3F9E];
	_ =	swait.ge [sflag:s4], $0x0  }
0x19: {  	s7 =	sld [smem:$0x3F9F]  }
0x1a: {  	s8 =	sadd.s32 $0xFFFFE003, lr  }
0x1b: {  	s9 =	sadd.s32 $0xFFFFFEF7, lr;
	s5 =	simm.s32 $0xFFFFFFFF;
	p2 =	slt.u32 s8, $0xFFFFF086  }
0x1c: {  	p1 =	slt.u32 s9, $0xF7A;
	s5 =	simm.s32 @!p2 $0x0  }
0x1d: {  	s5 =	simm.s32 @p1 $0x1;
	p0 =	seq.s32 s7, s2  }
0x1e: {  	s7 =	smul.u32 @!p0 $0xF7A, s2;
	p2 =	seq.s32 @!p0 s5, $0x0  }
0x1f: {  	s9 =	smul.u32 $0xF7A, s1;
	s8 =	simm.s32 @!p0 $0x1BF5;
	p2 =	por !p2, p0  }
0x20: {  	[sflag:s8] =	ssyncset.s32 @!p0 $0xFFFFF086;
	s6 =	sadd.s32 @!p0 s3, s7;
	s7 =	simm.s32 @!p0 $0x108  }
0x21: {  	s3 =	sadd.s32 s3, s9;
	s6 =	sadd.s32 @!p0 $0x88, s6;
	s7 =	simm.s32 @p2 $0x1082  }
0x22: {  	[simem:s7], [sflag:s8] =	dma.local @!p0 [hbm:s6], $0xF7A  }
0x23: {  	s9 =	sor.u32 $0xD0000000, s2;
	s6 =	simm.s32 $0x108;
	_ =	swait.ge @!p0 [sflag:s8], $0x0  }
0x24: {  	s3 =	sadd.s32 $0x88, s3;
	s6 =	simm.s32 @!p1 $0x1082;
	[sflag:s4] =	ssyncset.s32 $0xFFFFF086  }
0x25: {  	[simem:s6], [sflag:s4] =	dma.local [hbm:s3], $0xF7A  }
0x26: {  	[smem:$0x3F9F] =	sst s1;
	(tag) =	ssettag s2;
	_ =	strace s9  }
0x27: {  	s1 =	sld [smem:$0x3FAF]  }
0x28: {  	s2 =	sld [smem:$0x3FB0]  }
0x29: {  	s4 =	sld [smem:$0x3FB2]  }
0x2a: {  	p0 =	seq.s32 s5, $0x0;
	s5 =	sld [smem:$0x3FB3]  }
0x2b: {  	s6 =	sld [smem:$0x3FB4]  }
0x2c: {  	s7 =	sld [smem:$0x3FB5]  }
0x2d: {  	s3 =	simm.s32 $0x108;
	s8 =	sld [smem:$0x3FB6]  }
0x2e: {  	s3 =	simm.s32 @!p0 $0x1082;
	s9 =	sld [smem:$0x3FB7]  }
0x2f: {  	lr =	sadd.s32 s0, s3;
	s0 =	sld [smem:$0x3FAE]  }
0x30: {  	s3 =	sld [smem:$0x3FB1]  }
0x31: {  	[smem:$0x3FBA] =	sst s10  }
0x32: {  	s10 =	sld [smem:$0x3FB8];
	_ =	sdelay $0x3  }
0x33: {  	p0 =	seq.s32 s10, $0x1;
	s10 =	sld [smem:$0x3FBA];
	_ =	sdelay $0x3  }
0x34: {  	[smem:$0x3FBA] =	sst s10  }
0x35: {  	s10 =	sld [smem:$0x3FB9];
	_ =	sdelay $0x3  }
0x36: {  	p1 =	seq.s32 s10, $0x1;
	s10 =	sld [smem:$0x3FBA];
	_ =	sdelay $0x3  }
0x37: {  	[smem:$0x3FBA] =	sst s10  }
0x38: {  	s10 =	sld [smem:$0x3FBB]  }
0x39: {  	_ = 	snop;
	(pc) =	sbr.ind lr, $3  }
0x3a: {  	_ = 	snop  }
0x3b: {  	_ = 	snop  }
0x3c: {  	p2 =	seq.s32 s10, $0x1;
	s10 =	sld [smem:$0x3FBA]  }
0x3d: {  	_ =	shalt  }
0x3e: {  	_ =	shalt  }
0x3f: {  	_ =	shalt  }
0x40: {  	_ =	shalt  }
0x41: {  	_ =	shalt  }
0x42: {  	_ =	shalt  }
0x43: {  	_ =	shalt  }
0x44: {  	_ =	shalt  }
0x45: {  	_ =	shalt  }
0x46: {  	_ =	shalt  }
0x47: {  	_ =	shalt  }
0x48: {  	_ =	shalt  }
0x49: {  	_ =	shalt  }
0x4a: {  	_ =	shalt  }
0x4b: {  	_ =	shalt  }
0x4c: {  	_ =	shalt  }
0x4d: {  	_ =	shalt  }
0x4e: {  	_ =	shalt  }
0x4f: {  	_ =	shalt  }
0x50: {  	_ =	shalt  }
0x51: {  	_ =	shalt  }
0x52: {  	_ =	shalt  }
0x53: {  	_ =	shalt  }
0x54: {  	_ =	shalt  }
0x55: {  	_ =	shalt  }
0x56: {  	_ =	shalt  }
0x57: {  	_ =	shalt  }
0x58: {  	_ =	shalt  }
0x59: {  	_ =	shalt  }
0x5a: {  	_ =	shalt  }
0x5b: {  	_ =	shalt  }
0x5c: {  	_ =	shalt  }
0x5d: {  	_ =	shalt  }
0x5e: {  	_ =	shalt  }
0x5f: {  	_ =	shalt  }
0x60: {  	_ =	shalt  }
0x61: {  	_ =	shalt  }
0x62: {  	_ =	shalt  }
0x63: {  	_ =	shalt  }
0x64: {  	_ =	shalt  }
0x65: {  	_ =	shalt  }
0x66: {  	_ =	shalt  }
0x67: {  	_ =	shalt  }
0x68: {  	_ =	shalt  }
0x69: {  	_ =	shalt  }
0x6a: {  	_ =	shalt  }
0x6b: {  	_ =	shalt  }
0x6c: {  	_ =	shalt  }
0x6d: {  	_ =	shalt  }
0x6e: {  	_ =	shalt  }
0x6f: {  	_ =	shalt  }
0x70: {  	_ =	shalt  }
0x71: {  	_ =	shalt  }
0x72: {  	_ =	shalt  }
0x73: {  	_ =	shalt  }
0x74: {  	_ =	shalt  }
0x75: {  	_ =	shalt  }
0x76: {  	_ =	shalt  }
0x77: {  	_ =	shalt  }
0x78: {  	_ =	shalt  }
0x79: {  	_ =	shalt  }
0x7a: {  	_ =	shalt  }
0x7b: {  	_ =	shalt  }
0x7c: {  	_ =	shalt  }
0x7d: {  	_ =	shalt  }
0x7e: {  	_ =	shalt  }
0x7f: {  	_ =	shalt  }
0x80: {  	_ =	shalt  }
0x81: {  	_ =	shalt  }
0x82: {  	_ =	shalt  }
0x83: {  	_ =	shalt  }
0x84: {  	_ =	shalt  }
0x85: {  	_ =	shalt  }
0x86: {  	_ =	shalt  }
0x87: {  	_ =	shalt  }
.Lfunc_end0:
.L_simem_size_0:
called_computation_lowered:
.L_overlay_start_0:
0x88: {  	s2 =	sld [smem:$0x3FD9]  }
0x89: {  	s3 =	sld [smem:$0x3FFE];
	_ =	sdelay $0x1  }
0x8a: {  	s1 =	srdreg.scid  }
0x8b: {  	s0 =	sand.u32 $0x1, s1  }
0x8c: {  	s17 =	sshll.u32 s0, $0xA;
	s2 =	sadd.s32 s3, s2  }
0x8d: {  	s2 =	sadd.s32 s2, s17  }
0x8e: {  	[smem:$0x3FC6] =	sst s2  }
0x8f: {  	_ = 	snop  }
0x90: {  	s2 =	sld [smem:$0x3FC8]  }
0x91: {  	s18 =	sld [smem:$0x3FD0];
	(tm) =	ssettm $0x1  }
0x92: {  	s4 =	sld [smem:$0x3FFB];
	_ =	sdelay $0x3  }
0x93: {  	_ =	strace s4  }
0x94: {  	s4 =	sld [smem:$0x3FFC];
	_ =	sdelay $0x3  }
0x95: {  	_ =	strace s4  }
0x96: {  	s4 =	sld [smem:$0x3FFD];
	_ =	sdelay $0x3  }
0x97: {  	_ =	strace s4  }
0x98: {  	_ =	strace $0x8FFFFFFF  }
0x99: {  	s19 =	sld [smem:$0x3FDB];
	_ =	sdelay $0x1  }
0x9a: {  	s5 =	simm.s32 $_scs_section_size  }
0x9b: {  	s6 =	simm.s32 $_size__tile_overlayer_lowered;
	s7 =	simm.s32 $_tile_overlayer_lowered  }
0x9c: {  	s22 =	simm.s32 $0x1BFF;
	s21 =	sshll.u32 s7, $0x1;
	s4 =	sadd.s32 s5, s19  }
0x9d: {  	s8 =	simm.s32 $0x0;
	s20 =	sshll.u32 s6, $0x1;
	s6 =	sadd.s32 s21, s4  }
0x9e: {  	[timem:s8], [sflag:s22] =	dma.local [hbm:s6], s20  }
0x9f: {  	_ =	swait.ge [sflag:s22], s20  }
0xa0: {  	s5 =	ssub.s32 $0x0, s20;
	[sflag:s22] =	ssyncset.done $0x0  }
0xa1: {  	[sflag:s22] =	ssyncadd.s32 s5;
	_ =	sdelay $0x1  }
0xa2: {  	s23 =	simm.s32 $0x1B8B  }
0xa3: {  	_ =	swait.ge [sflag:s23], $0x1  }
0xa4: {  	[sflag:s23] =	ssyncset.done $0x0  }
0xa5: {  	s25 =	simm.s32 $0x1B8E;
	s24 =	sld [smem:$0x3FFE];
	[sflag:s23] =	ssyncadd.s32 $0xFFFFFFFF  }
0xa6: {  	s26 =	simm.s32 $execute0_lowered;
	[smem:$0x3FD2] =	sst s25  }
0xa7: {  	s6 =	sshll.u32 s26, $0x1;
	_ =	strace $0x80000046;
	[dreg:$0x1] =	wrdreg $0xFFFFFFFF  }
0xa8: {  	s28 =	simm.s32 $_size_execute0_lowered;
	s4 =	sadd.s32 s4, s6;
	[dreg:$0x0] =	wrdreg $0x0  }
0xa9: {  	s6 =	sshll.u32 s28, $0x1;
	[dreg:$0x2] =	wrdreg s4  }
0xaa: {  	[dreg:$0x3] =	wrdreg s6  }
0xab: {  	[dreg:$0x4] =	wrdreg $0xC0  }
0xac: {  	_ =	task [dreg:s8], $0x5FFFF  }
0xad: {  	[dreg:$0x1] =	wrdreg $0xFFFFFFFF  }
0xae: {  	[dreg:$0x0] =	wrdreg $0x60  }
0xaf: {  	[dreg:$0x2] =	wrdreg s24  }
0xb0: {  	[dreg:$0x3] =	wrdreg s2  }
0xb1: {  	[dreg:$0x4] =	wrdreg s18  }
0xb2: {  	[dreg:$0x5] =	wrdreg $0x9  }
0xb3: {  	_ =	task.clear_ibuf [dreg:s8], $0x6FFFF;
	_ =	strace $0x90000046  }
0xb4: {  	s29 =	simm.s32 $0x9;
	_ =	strace $0x80000048  }
0xb5: {  	_ =	swait.ge [sflag:s29], $0x1  }
0xb6: {  	[sflag:s29] =	ssyncadd.s32 $0xFFFFFFFF  }
0xb7: {  	_ =	strace $0x90000048  }
0xb8: {  	_ =	sfence  }
0xb9: {  	s30 =	sld [smem:$0x0];
	_ =	sdelay $0x2  }
0xba: {  	s31 =	sshll.u32 s1, $0xD;
	s1 =	sshrl.u32 s1, $0x2  }
0xbb: {  	s3 =	sand.u32 $0x4000, s31;
	s1 =	sadd.s32 s1, s30  }
0xbc: {  	s0 =	sor.u32 s3, s0;
	s1 =	sshll.u32 s1, $0x11  }
0xbd: {  	s0 =	sor.u32 s1, s0  }
0xbe: {  	s0 =	sadd.s32 $0x8F2B, s0  }
0xbf: {  	[sflag:s0] =	ssyncadd.remote.s32 $0x1  }
0xc0: {  	_ =	sfence.sel $0xFFFF  }
0xc1: {  	[dreg:$0x0] =	wrdreg $0xFFFFFFFF;
	(pc) =	sbr.abs _section_cstart, $3  }
0xc2: {  	[dreg:$0x1] =	wrdreg $0xFFFFFFFF  }
0xc3: {  	_ =	task.clear_ibuf [dreg:s8], $0x2FFFF;
	_ =	strace $0x9FFFFFFF  }
0xc4: {  	(tm) =	ssettm $0x7FFFFFFF  }
0xc5: {  	_ =	shalt  }
tec
execute0_lowered:
.L_overlay_start_1:
0x0: {  	(tag) =	ssettag $0x1  }
0x1: {  	s0 =	rddreg [dreg:$0x0]  }
0x2: {  	s2 =	rddreg [dreg:$0x1];
	s3 =	simm.s32 $0x0;
	s4 =	srdreg.scid  }
0x3: {  	s1 =	stileid.u32;
	[smem:$0x7FF] =	sst s3;
	s6 =	sand.u32 $0x1, s4  }
0x4: {  	s7 =	sand.u32 $0x7, s1;
	s26 =	sadd.s32 $0x400, s0;
	s10 =	sshrl.u32 s1, $0x3  }
0x5: {  	_ =	strace $0x80000047;
	s5 =	ssub.s32 $0x2, s6;
	s1 =	sshll.u32 s10, $0xA  }
0x6: {  	s11 =	sshll.u32 s6, $0x15;
	s6 =	sshll.u32 s6, $0xA;
	[dreg:$0x4] =	wrdreg s26  }
0x7: {  	s8 =	smul.u32 $0x1080, s7;
	[dreg:$0x5] =	wrdreg s1;
	s23 =	sor.u32 $0x4, s6  }
0x8: {  	s9 =	sshll.u32 s7, $0xE;
	s24 =	sor.u32 $0x5, s6;
	[dreg:$0x12] =	wrdreg s23  }
0x9: {  	s22 =	sshll.u32 s10, $0xD;
	s25 =	sor.u32 $0x6, s6;
	[dreg:$0x13] =	wrdreg s24  }
0xa: {  	s28 =	sshrl.u32 s5, $0x1;
	s8 =	sadd.s32 s2, s8;
	[dreg:$0x14] =	wrdreg s25  }
0xb: {  	s0 =	ssub.s32 s5, s28;
	s28 =	sor.u32 s22, s9;
	[dreg:$0x6] =	wrdreg s8  }
0xc: {  	s12 =	sadd.s32 $0x10, s8;
	[dreg:$0x17] =	wrdreg s28  }
0xd: {  	s13 =	sadd.s32 $0x20, s8;
	[dreg:$0x7] =	wrdreg s12  }
0xe: {  	s14 =	sadd.s32 $0x30, s8;
	[dreg:$0x8] =	wrdreg s13  }
0xf: {  	s29 =	simm.s32 $0x1080;
	s15 =	sadd.s32 $0x40, s8;
	[dreg:$0x9] =	wrdreg s14  }
0x10: {  	s30 =	simm.s32 $0x2100;
	s16 =	sadd.s32 $0x50, s8;
	[dreg:$0xa] =	wrdreg s15  }
0x11: {  	s31 =	simm.s32 $0x3180;
	s18 =	sadd.s32 $0x60, s8;
	[dreg:$0xb] =	wrdreg s16  }
0x12: {  	s2 =	sor.u32 s11, s1;
	s19 =	sadd.s32 $0x70, s8;
	[dreg:$0xd] =	wrdreg s18  }
0x13: {  	s2 =	sshrl.u32 s2, $0x3;
	s0 =	smax.u32 s0, $0x1;
	[dreg:$0xe] =	wrdreg s19  }
0x14: {  	s24 =	smov.u32 s6;
	s17 =	sadd.s32 s26, s2;
	[dreg:$0x16] =	wrdreg s0  }
.Ltmp0:
0x15: {  	s26 =	sor.u32 $0x7, s6;
	[dreg:$0xc] =	wrdreg s17;
	(pc) =	sbr.rel .LBB2_1-.Ltmp0, $4  }
0x16: {  	s9 =	simm.s32 $0x7380;
	s20 =	sadd.s32 $0x100, s17;
	[dreg:$0x15] =	wrdreg s26  }
0x17: {  	s5 =	simm.s32 $0x0;
	s21 =	sadd.s32 $0x200, s17;
	[dreg:$0xf] =	wrdreg s20  }
0x18: {  	s8 =	simm.s32 $0x6300;
	s1 =	sadd.s32 $0x300, s17;
	[dreg:$0x10] =	wrdreg s21  }
0x19: {  	s0 =	simm.s32 $0x4200;
	s2 =	simm.s32 $0x5280;
	[dreg:$0x11] =	wrdreg s1  }
.LBB2_12:
0x1a: {  	s1 =	simm.s32 $0x5  }
0x1b: {  	_ =	swait.ge [sflag:s1], $0x2000  }
0x1c: {  	[sflag:s1] =	ssyncset.done $0x0  }
0x1d: {  	s25 =	simm.s32 $0x6;
	[sflag:s1] =	ssyncadd.s32 $0xFFFFE000  }
0x1e: {  	_ =	swait.ge [sflag:s25], $0x2000  }
0x1f: {  	[sflag:s25] =	ssyncset.done $0x0  }
0x20: {  	s26 =	simm.s32 $0x7;
	[sflag:s25] =	ssyncadd.s32 $0xFFFFE000  }
0x21: {  	_ =	swait.ge [sflag:s26], $0x2000  }
0x22: {  	[sflag:s26] =	ssyncset.done $0x0  }
0x23: {  	s4 =	simm.s32 $0x8;
	[sflag:s26] =	ssyncadd.s32 $0xFFFFE000  }
0x24: {  	_ =	swait.ge [sflag:s4], $0x2000  }
0x25: {  	s5 =	rddreg [dreg:$0x18]  }
0x26: {  	s28 =	rddreg [dreg:$0x16];
	s5 =	sadd.s32 $0x1, s5  }
0x27: {  	p0 =	sne.s32 s5, s28  }
.Ltmp1:
0x28: {  	_ = 	snop;
	(pc) =	sbr.rel @!p0 .LBB2_13-.Ltmp1, $3  }
0x29: {  	_ =	sdelay $0x1  }
0x2a: {  	[sflag:s4] =	ssyncset.done $0x0  }
0x2b: {  	[sflag:s4] =	ssyncadd.s32 $0xFFFFE000  }
.LBB2_1:
0x2c: {  	[dreg:$0x18] =	wrdreg s5  }
0x2d: {  	s1 =	rddreg [dreg:$0x6]  }
0x2e: {  	s4 =	simm.s32 $0x80;
	s11 =	simm.s32 $0x400;
	s6 =	simm.s32 $0x9  }
0x2f: {  	[tilespmem:s3], [sflag:$0x9] =	stream.strided.gather [hbm4b:s1+s4], $0x1080, s11, s4, $0x38;
	[tilespmem:$0x11400] =	vst v63  }
0x30: {  	_ =	swait.ge [sflag:s6], $0x1080  }
0x31: {  	[sflag:s6] =	ssyncset.done $0x0  }
0x32: {  	s12 =	rddreg [dreg:$0x7];
	[sflag:s6] =	ssyncadd.s32 $0xFFFFEF80  }
0x33: {  	[tilespmem:s29], [sflag:$0x9] =	stream.strided.gather [hbm4b:s12+s4], $0x1080, s11, s4, $0x38;
	[tilespmem:$0x11400] =	vst v63  }
0x34: {  	_ =	swait.ge [sflag:s6], $0x1080  }
0x35: {  	[sflag:s6] =	ssyncset.done $0x0  }
0x36: {  	s13 =	rddreg [dreg:$0x8];
	[sflag:s6] =	ssyncadd.s32 $0xFFFFEF80  }
0x37: {  	[tilespmem:s30], [sflag:$0x9] =	stream.strided.gather [hbm4b:s13+s4], $0x1080, s11, s4, $0x38;
	[tilespmem:$0x11400] =	vst v63  }
0x38: {  	_ =	swait.ge [sflag:s6], $0x1080  }
0x39: {  	[sflag:s6] =	ssyncset.done $0x0  }
0x3a: {  	s14 =	rddreg [dreg:$0x9];
	[sflag:s6] =	ssyncadd.s32 $0xFFFFEF80  }
0x3b: {  	[tilespmem:s31], [sflag:$0x9] =	stream.strided.gather [hbm4b:s14+s4], $0x1080, s11, s4, $0x38;
	[tilespmem:$0x11400] =	vst v63  }
0x3c: {  	_ =	swait.ge [sflag:s6], $0x1080  }
0x3d: {  	[sflag:s6] =	ssyncset.done $0x0  }
0x3e: {  	s15 =	rddreg [dreg:$0xa];
	[sflag:s6] =	ssyncadd.s32 $0xFFFFEF80  }
0x3f: {  	[tilespmem:s0], [sflag:$0x9] =	stream.strided.gather [hbm4b:s15+s4], $0x1080, s11, s4, $0x38;
	[tilespmem:$0x11400] =	vst v63  }
0x40: {  	_ =	swait.ge [sflag:s6], $0x1080  }
0x41: {  	[sflag:s6] =	ssyncset.done $0x0  }
0x42: {  	s16 =	rddreg [dreg:$0xb];
	[sflag:s6] =	ssyncadd.s32 $0xFFFFEF80  }
0x43: {  	[tilespmem:s2], [sflag:$0x9] =	stream.strided.gather [hbm4b:s16+s4], $0x1080, s11, s4, $0x38;
	[tilespmem:$0x11400] =	vst v63  }
0x44: {  	_ =	swait.ge [sflag:s6], $0x1080  }
0x45: {  	[sflag:s6] =	ssyncset.done $0x0  }
0x46: {  	s17 =	rddreg [dreg:$0xd];
	[sflag:s6] =	ssyncadd.s32 $0xFFFFEF80  }
0x47: {  	[tilespmem:s8], [sflag:$0x9] =	stream.strided.gather [hbm4b:s17+s4], $0x1080, s11, s4, $0x38;
	[tilespmem:$0x11400] =	vst v63  }
0x48: {  	_ =	swait.ge [sflag:s6], $0x1080  }
0x49: {  	[sflag:s6] =	ssyncset.done $0x0  }
0x4a: {  	s18 =	rddreg [dreg:$0xe];
	[sflag:s6] =	ssyncadd.s32 $0xFFFFEF80  }
0x4b: {  	[tilespmem:s9], [sflag:$0x9] =	stream.strided.gather [hbm4b:s18+s4], $0x1080, s11, s4, $0x38;
	[tilespmem:$0x11400] =	vst v63  }
0x4c: {  	_ =	swait.ge [sflag:s6], $0x1080  }
0x4d: {  	[sflag:s6] =	ssyncset.done $0x0  }
0x4e: {  	s20 =	simm.s32 $0x8400;
	s19 =	rddreg [dreg:$0xc];
	[sflag:s6] =	ssyncadd.s32 $0xFFFFEF80  }
0x4f: {  	[tilespmem:s20], [sflag:$0x1] =	stream.linear.gather [hbm4b:s19+s3], $0x400, $0x38;
	[tilespmem:$0x11400] =	vst v63  }
0x50: {  	s22 =	simm.s32 $0x8800;
	s21 =	rddreg [dreg:$0xf]  }
0x51: {  	[tilespmem:s22], [sflag:$0x2] =	stream.linear.gather [hbm4b:s21+s3], $0x400, $0x38;
	[tilespmem:$0x11400] =	vst v63  }
0x52: {  	s25 =	simm.s32 $0x8C00;
	s23 =	rddreg [dreg:$0x10]  }
0x53: {  	[tilespmem:s25], [sflag:$0x3] =	stream.linear.gather [hbm4b:s23+s3], $0x400, $0x38;
	[tilespmem:$0x11400] =	vst v63  }
0x54: {  	s28 =	simm.s32 $0x9000;
	s26 =	rddreg [dreg:$0x11];
	s6 =	simm.s32 $0x0  }
0x55: {  	[tilespmem:s28], [sflag:$0x4] =	stream.linear.gather [hbm4b:s26+s3], $0x400, $0x38;
	[tilespmem:$0x11400] =	vst v63  }
.LBB2_2:
0x56: {  	s1 =	simm.s32 $0x1  }
0x57: {  	_ =	swait.ge [sflag:s1], $0x400  }
0x58: {  	p0 =	seq.s32 s6, $0x0;
	[sflag:s1] =	ssyncset.done $0x0  }
0x59: {  	s15 =	simm.s32 $0x0;
	s10 =	simm.s32 @!p0 $0x5;
	[sflag:s1] =	ssyncadd.s32 $0xFFFFFC00  }
0x5a: {  	s11 =	sand.u32 $0x40, s15;
	s12 =	sand.u32 $0x380, s15;
	_ =	swait.ge @!p0 [sflag:s10], $0x2000  }
0x5b: {  	s14 =	sor.u32 $0x10, s11;
	s12 =	sor.u32 $0x8400, s12;
	[sflag:s10] =	ssyncset.done @!p0 $0x0  }
0x5c: {  	s18 =	sor.u32 s14, s12;
	[sflag:s10] =	ssyncadd.s32 @!p0 $0xFFFFE000  }
0x5d: {  	s16 =	sor.u32 $0x20, s11;
	v1 =	vld [tilespmem:s18+$0x0]  }
0x5e: {  	s26 =	simm.s32 $0x40;
	s17 =	sor.u32 $0x30, s11;
	s19 =	sor.u32 s16, s12  }
0x5f: {  	s13 =	sand.u32 $0x40, s26;
	s22 =	sand.u32 $0x380, s26;
	s20 =	sor.u32 s17, s12;
	v2 =	vld [tilespmem:s19+$0x0]  }
0x60: {  	s21 =	simm.s32 $0x8400;
	s28 =	sor.u32 $0x10, s13;
	v3 =	vld [tilespmem:s20+$0x0];
	s19 =	sor.u32 $0x8400, s22  }
0x61: {  	s12 =	sor.u32 $0x20, s13;
	v4 =	vld [tilespmem:s21+$0x0];
	s20 =	sor.u32 s28, s19  }
0x62: {  	s10 =	sor.u32 $0x30, s13;
	s25 =	sor.u32 s12, s19;
	v7 =	vld [tilespmem:s20+$0x0]  }
0x63: {  	s19 =	sor.u32 s10, s19;
	v12 =	vld [tilespmem:s25+$0x0]  }
0x64: {  	v13 =	vld [tilespmem:s19+$0x0]  }
0x65: {  	v17 =	vld.idx.msk [tilespmem:v1+s2+$0x0], $0xffff  }
0x66: {  	v0 =	vld.idx.msk [tilespmem:v1+s9+$0x0], $0xffff  }
0x67: {  	v8 =	vld.idx.msk [tilespmem:v1+s0+$0x0], $0xffff  }
0x68: {  	v19 =	vld.idx.msk [tilespmem:v2+s3+$0x0], $0xffff  }
0x69: {  	v20 =	vld.idx.msk [tilespmem:v2+s29+$0x0], $0xffff  }
0x6a: {  	v26 =	vld.idx.msk [tilespmem:v1+s8+$0x0], $0xffff  }
0x6b: {  	v5 =	vld.idx.msk [tilespmem:v2+s30+$0x0], $0xffff  }
0x6c: {  	v9 =	vld.idx.msk [tilespmem:v3+s2+$0x0], $0xffff  }
0x6d: {  	v6 =	vld.idx.msk [tilespmem:v3+s0+$0x0], $0xffff  }
0x6e: {  	v28 =	vld.idx.msk [tilespmem:v4+s9+$0x0], $0xffff  }
0x6f: {  	v10 =	vld.idx.msk [tilespmem:v2+s31+$0x0], $0xffff  }
0x70: {  	v23 =	vld.idx.msk [tilespmem:v2+s0+$0x0], $0xffff  }
0x71: {  	v25 =	vld.idx.msk [tilespmem:v2+s2+$0x0], $0xffff  }
0x72: {  	v31 =	vld.idx.msk [tilespmem:v2+s8+$0x0], $0xffff  }
0x73: {  	v11 =	vld.idx.msk [tilespmem:v3+s29+$0x0], $0xffff  }
0x74: {  	v15 =	vld.idx.msk [tilespmem:v3+s3+$0x0], $0xffff  }
0x75: {  	v21 =	vld.idx.msk [tilespmem:v3+s9+$0x0], $0xffff  }
0x76: {  	v14 =	vld.idx.msk [tilespmem:v1+s31+$0x0], $0xffff  }
0x77: {  	v16 =	vld.idx.msk [tilespmem:v3+s31+$0x0], $0xffff  }
0x78: {  	v22 =	vld.idx.msk [tilespmem:v4+s0+$0x0], $0xffff  }
0x79: {  	v18 =	vld.idx.msk [tilespmem:v4+s31+$0x0], $0xffff  }
0x7a: {  	v27 =	vld.idx.msk [tilespmem:v3+s8+$0x0], $0xffff  }
0x7b: {  	v24 =	vld.idx.msk [tilespmem:v4+s29+$0x0], $0xffff  }
0x7c: {  	v32 =	vld.idx.msk [tilespmem:v1+s3+$0x0], $0xffff  }
0x7d: {  	s23 =	sand.u32 $0x1C00, s15;
	v29 =	vld.idx.msk [tilespmem:v4+s3+$0x0], $0xffff  }
0x7e: {  	s21 =	sadd.s32 $0x9400, s23;
	v33 =	vld.idx.msk [tilespmem:v1+s29+$0x0], $0xffff  }
0x7f: {  	s1 =	sor.u32 s14, s21;
	v1 =	vld.idx.msk [tilespmem:v1+s30+$0x0], $0xffff  }
0x80: {  	v30 =	vld.idx.msk [tilespmem:v4+s8+$0x0], $0xffff;
	[tilespmem:s1+$0x180] =	vst v14  }
0x81: {  	s14 =	sor.u32 s16, s21;
	v63 =	vld.idx.msk [tilespmem:v2+s9+$0x0], $0xffff;
	[tilespmem:s1+$0x0] =	vst v32  }
0x82: {  	s4 =	sor.u32 s17, s21;
	v34 =	vld.idx.msk [tilespmem:v3+s30+$0x0], $0xffff;
	[tilespmem:s14+$0x180] =	vst v10  }
0x83: {  	v35 =	vld.idx.msk [tilespmem:v4+s30+$0x0], $0xffff;
	[tilespmem:s4+$0x180] =	vst v16  }
0x84: {  	v36 =	vld.idx.msk [tilespmem:v4+s2+$0x0], $0xffff;
	[tilespmem:s1+$0x100] =	vst v1  }
0x85: {  	s11 =	sor.u32 s11, s21;
	v2 =	vld.idx.msk [tilespmem:v7+s2+$0x0], $0xffff;
	[tilespmem:s14+$0x100] =	vst v5  }
0x86: {  	v3 =	vld.idx.msk [tilespmem:v12+s3+$0x0], $0xffff;
	[tilespmem:s11+$0x80] =	vst v24  }
0x87: {  	s5 =	simm.s32 $0x8440;
	v4 =	vld.idx.msk [tilespmem:v12+s29+$0x0], $0xffff;
	[tilespmem:s4+$0x80] =	vst v11  }
0x88: {  	v14 =	vld [tilespmem:s5+$0x0];
	[tilespmem:s11+$0x180] =	vst v18  }
0x89: {  	p1 =	por $0x0, $0x0;
	v10 =	vld.idx.msk [tilespmem:v7+s9+$0x0], $0xffff;
	[tilespmem:s4+$0x0] =	vst v15  }
0x8a: {  	p2 =	por p1, p1;
	s17 =	simm.s32 $0x1;
	v5 =	vld.idx.msk [tilespmem:v7+s0+$0x0], $0xffff;
	[tilespmem:s11+$0x0] =	vst v29  }
0x8b: {  	s17 =	simm.s32 @!p2 $0x0;
	v1 =	vld.idx.msk [tilespmem:v7+s8+$0x0], $0xffff;
	[tilespmem:s4+$0x100] =	vst v34  }
0x8c: {  	s17 =	sshll.u32 s17, $0x6;
	v18 =	vld.idx.msk [tilespmem:v12+s30+$0x0], $0xffff;
	[tilespmem:s1+$0x80] =	vst v33  }
0x8d: {  	s17 =	sadd.s32 $0x0, s17;
	v16 =	vld.idx.msk [tilespmem:v13+s2+$0x0], $0xffff;
	[tilespmem:s11+$0x100] =	vst v35  }
0x8e: {  	s7 =	sadd.s32 $0x30, s17;
	v15 =	vld.idx.msk [tilespmem:v13+s0+$0x0], $0xffff;
	[tilespmem:s14+$0x0] =	vst v19  }
0x8f: {  	s18 =	sor.u32 $0x200, s7;
	v24 =	vld.idx.msk [tilespmem:v12+s31+$0x0], $0xffff;
	[tilespmem:s14+$0x80] =	vst v20  }
0x90: {  	s21 =	sadd.s32 $0x10, s17;
	s22 =	sor.u32 $0x200, s17;
	v11 =	vld.idx.msk [tilespmem:v12+s0+$0x0], $0xffff;
	[tilespmem:s18+$0x9400] =	vst v6  }
0x91: {  	s23 =	sor.u32 $0x200, s21;
	v29 =	vld.idx.msk [tilespmem:v7+s31+$0x0], $0xffff;
	[tilespmem:s22+$0x9400] =	vst v22  }
0x92: {  	s19 =	sor.u32 $0x280, s7;
	[tilespmem:s23+$0x9400] =	vst v8;
	v8 =	vld.idx.msk [tilespmem:v12+s8+$0x0], $0xffff  }
0x93: {  	s1 =	sor.u32 $0x280, s21;
	v22 =	vld.idx.msk [tilespmem:v13+s29+$0x0], $0xffff;
	[tilespmem:s19+$0x9400] =	vst v9  }
0x94: {  	s4 =	sadd.s32 $0x20, s17;
	s5 =	sor.u32 $0x280, s17;
	v9 =	vld.idx.msk [tilespmem:v12+s2+$0x0], $0xffff;
	[tilespmem:s1+$0x9400] =	vst v17  }
0x95: {  	s20 =	sor.u32 $0x300, s7;
	s25 =	sor.u32 $0x380, s7;
	s7 =	sor.u32 $0x200, s4;
	v17 =	vld.idx.msk [tilespmem:v13+s9+$0x0], $0xffff;
	[tilespmem:s5+$0x9400] =	vst v36  }
0x96: {  	[tilespmem:s7+$0x9400] =	vst v23;
	v23 =	vld.idx.msk [tilespmem:v13+s8+$0x0], $0xffff  }
0x97: {  	[tilespmem:s20+$0x9400] =	vst v27;
	v27 =	vld.idx.msk [tilespmem:v13+s31+$0x0], $0xffff  }
0x98: {  	s16 =	sor.u32 $0x280, s4;
	[tilespmem:s25+$0x9400] =	vst v21;
	v21 =	vld.idx.msk [tilespmem:v13+s3+$0x0], $0xffff  }
0x99: {  	s15 =	sor.u32 s15, s15;
	s17 =	sor.u32 $0x300, s17;
	[tilespmem:s16+$0x9400] =	vst v25;
	v6 =	vld.idx.msk [tilespmem:v14+s9+$0x0], $0xffff  }
0x9a: {  	p6 =	por !p1, !p1;
	s14 =	sor.u32 $0x380, s21;
	s21 =	sor.u32 $0x300, s21;
	[tilespmem:s17+$0x9400] =	vst v30;
	v20 =	vld.idx.msk [tilespmem:v14+s0+$0x0], $0xffff  }
0x9b: {  	p1 =	por p6, p6;
	p2 =	por !p6, !p6;
	s18 =	sor.u32 $0x380, s15;
	[tilespmem:s21+$0x9400] =	vst v26;
	v25 =	vld.idx.msk [tilespmem:v14+s31+$0x0], $0xffff  }
0x9c: {  	s15 =	simm.s32 $0x200;
	s11 =	sor.u32 $0x380, s4;
	s20 =	sor.u32 $0x300, s4;
	[tilespmem:s18+$0x9400] =	vst v28;
	v30 =	vld.idx.msk [tilespmem:v14+s29+$0x0], $0xffff  }
0x9d: {  	s23 =	simm.s32 $0x8480;
	s22 =	simm.s32 $0x400;
	s19 =	simm.s32 $0x80;
	[tilespmem:s20+$0x9400] =	vst v31;
	v28 =	vld.idx.msk [tilespmem:v14+s3+$0x0], $0xffff  }
0x9e: {  	s17 =	simm.s32 $0x4;
	s25 =	sshll.u32 s6, $0x2;
	[tilespmem:s11+$0x9400] =	vst v63;
	s11 =	sand.u32 $0x1C00, s15;
	v19 =	vld.idx.msk [tilespmem:v14+s8+$0x0], $0xffff  }
.LBB2_3:
0x9f: {  	s16 =	sand.u32 $0x40, s19;
	s20 =	sand.u32 $0x380, s19;
	s11 =	sadd.s32 $0x9400, s11;
	v26 =	vld.idx.msk [tilespmem:v7+s3+$0x0], $0xffff;
	[tilespmem:s14+$0x9400] =	vst v0;
	v0 =	vmov v10  }
0xa0: {  	s17 =	sadd.s32 $0x4, s17;
	s14 =	sor.u32 $0x10, s16;
	s20 =	sor.u32 $0x8400, s20;
	v31 =	vld.idx.msk [tilespmem:v7+s29+$0x0], $0xffff  }
0xa1: {  	s18 =	sor.u32 $0x20, s16;
	s1 =	sor.u32 $0x30, s16;
	s21 =	sor.u32 s14, s20;
	v10 =	vld.idx.msk [tilespmem:v7+s30+$0x0], $0xffff  }
0xa2: {  	p3 =	slt.u32 s17, $0x3C;
	s4 =	sor.u32 s1, s20;
	v7 =	vld [tilespmem:s21+$0x0];
	s21 =	sor.u32 s18, s20  }
0xa3: {  	s5 =	sor.u32 s28, s11;
	s28 =	smov.u32 s14;
	s20 =	sor.u32 s12, s11;
	v32 =	vld [tilespmem:s21+$0x0]  }
0xa4: {  	s12 =	smov.u32 s18;
	v33 =	vld [tilespmem:s4+$0x0];
	[tilespmem:s5+$0x180] =	vst v29  }
0xa5: {  	[tilespmem:s5+$0x0] =	vst v26;
	v26 =	vld.idx.msk [tilespmem:v12+s9+$0x0], $0xffff  }
0xa6: {  	s4 =	sor.u32 s10, s11;
	s10 =	smov.u32 s1;
	[tilespmem:s20+$0x180] =	vst v24;
	v24 =	vld.idx.msk [tilespmem:v13+s30+$0x0], $0xffff  }
0xa7: {  	v29 =	vld.idx.msk [tilespmem:v14+s30+$0x0], $0xffff;
	[tilespmem:s4+$0x180] =	vst v27  }
0xa8: {  	s1 =	sor.u32 s13, s11;
	s13 =	smov.u32 s16;
	v27 =	vld.idx.msk [tilespmem:v14+s2+$0x0], $0xffff;
	[tilespmem:s5+$0x100] =	vst v10;
	v12 =	vmov v32  }
0xa9: {  	v14 =	vld [tilespmem:s23+$0x0];
	[tilespmem:s20+$0x100] =	vst v18;
	v13 =	vmov v33  }
0xaa: {  	v32 =	vld.idx.msk [tilespmem:v7+s2+$0x0], $0xffff;
	[tilespmem:s1+$0x80] =	vst v30  }
0xab: {  	s11 =	simm.s32 $0x1;
	v10 =	vld.idx.msk [tilespmem:v7+s9+$0x0], $0xffff;
	[tilespmem:s4+$0x80] =	vst v22  }
0xac: {  	s11 =	simm.s32 @!p1 $0x0;
	p1 =	por p2, p2;
	v22 =	vld.idx.msk [tilespmem:v7+s0+$0x0], $0xffff;
	[tilespmem:s1+$0x180] =	vst v25  }
0xad: {  	s11 =	sshll.u32 s11, $0x6;
	v25 =	vld.idx.msk [tilespmem:v12+s3+$0x0], $0xffff;
	[tilespmem:s4+$0x0] =	vst v21  }
0xae: {  	s14 =	sadd.s32 s11, s15;
	v30 =	vld.idx.msk [tilespmem:v12+s29+$0x0], $0xffff;
	[tilespmem:s1+$0x0] =	vst v28  }
0xaf: {  	s21 =	sadd.s32 $0x10, s14;
	s11 =	sadd.s32 $0x20, s14;
	v33 =	vld.idx.msk [tilespmem:v7+s8+$0x0], $0xffff;
	[tilespmem:s4+$0x100] =	vst v24;
	s4 =	sadd.s32 $0x30, s14  }
0xb0: {  	v18 =	vld.idx.msk [tilespmem:v12+s30+$0x0], $0xffff;
	[tilespmem:s5+$0x80] =	vst v31;
	s5 =	sor.u32 $0x200, s4  }
0xb1: {  	v21 =	vld.idx.msk [tilespmem:v13+s2+$0x0], $0xffff;
	[tilespmem:s5+$0x9400] =	vst v15  }
0xb2: {  	v15 =	vld.idx.msk [tilespmem:v13+s0+$0x0], $0xffff;
	[tilespmem:s1+$0x100] =	vst v29;
	s1 =	sor.u32 $0x280, s4  }
0xb3: {  	v28 =	vld.idx.msk [tilespmem:v14+s9+$0x0], $0xffff;
	[tilespmem:s1+$0x9400] =	vst v16;
	s1 =	sor.u32 $0x300, s4  }
0xb4: {  	s5 =	sor.u32 $0x200, s14;
	v24 =	vld.idx.msk [tilespmem:v12+s31+$0x0], $0xffff;
	[tilespmem:s1+$0x9400] =	vst v23  }
0xb5: {  	s1 =	sor.u32 $0x200, s21;
	v23 =	vld.idx.msk [tilespmem:v12+s0+$0x0], $0xffff;
	[tilespmem:s5+$0x9400] =	vst v20  }
0xb6: {  	v31 =	vld.idx.msk [tilespmem:v12+s2+$0x0], $0xffff;
	[tilespmem:s1+$0x9400] =	vst v5;
	s1 =	sor.u32 $0x380, s4;
	v5 =	vmov v22  }
0xb7: {  	s4 =	sor.u32 $0x280, s21;
	v16 =	vmov v21;
	v34 =	vld.idx.msk [tilespmem:v12+s8+$0x0], $0xffff;
	[tilespmem:s1+$0x9400] =	vst v17  }
0xb8: {  	v22 =	vld.idx.msk [tilespmem:v13+s29+$0x0], $0xffff;
	[tilespmem:s4+$0x9400] =	vst v2;
	v2 =	vmov v32  }
0xb9: {  	v21 =	vld.idx.msk [tilespmem:v13+s3+$0x0], $0xffff;
	[tilespmem:s20+$0x0] =	vst v3;
	v3 =	vmov v25  }
0xba: {  	s1 =	sor.u32 $0x280, s14;
	v17 =	vld.idx.msk [tilespmem:v13+s9+$0x0], $0xffff;
	[tilespmem:s20+$0x80] =	vst v4;
	v4 =	vmov v30  }
0xbb: {  	v29 =	vld.idx.msk [tilespmem:v7+s31+$0x0], $0xffff;
	[tilespmem:s1+$0x9400] =	vst v27;
	s1 =	sor.u32 $0x200, s11  }
0xbc: {  	v27 =	vld.idx.msk [tilespmem:v13+s31+$0x0], $0xffff;
	[tilespmem:s1+$0x9400] =	vst v11;
	s1 =	sor.u32 $0x280, s11;
	v11 =	vmov v23  }
0xbd: {  	s5 =	sor.u32 s15, s26;
	s15 =	smov.u32 s22;
	s4 =	sor.u32 $0x300, s14;
	v20 =	vld.idx.msk [tilespmem:v14+s0+$0x0], $0xffff;
	[tilespmem:s1+$0x9400] =	vst v9;
	v9 =	vmov v31  }
.Ltmp2:
0xbe: {  	s26 =	smov.u32 s19;
	s1 =	sor.u32 $0x380, s5;
	v25 =	vld.idx.msk [tilespmem:v14+s31+$0x0], $0xffff;
	[tilespmem:s4+$0x9400] =	vst v19;
	(pc) =	sbr.rel @p3 .LBB2_3-.Ltmp2, $4  }
0xbf: {  	v23 =	vld.idx.msk [tilespmem:v13+s8+$0x0], $0xffff;
	[tilespmem:s1+$0x9400] =	vst v6;
	s1 =	sor.u32 $0x300, s11;
	v6 =	vmov v28  }
0xc0: {  	s14 =	sor.u32 $0x380, s21;
	v30 =	vld.idx.msk [tilespmem:v14+s29+$0x0], $0xffff;
	[tilespmem:s1+$0x9400] =	vst v8;
	s1 =	sor.u32 $0x380, s11;
	v8 =	vmov v34  }
0xc1: {  	p2 =	por !p2, !p2;
	s23 =	sadd.s32 $0x40, s23;
	s4 =	sor.u32 $0x300, s21;
	v28 =	vld.idx.msk [tilespmem:v14+s3+$0x0], $0xffff;
	[tilespmem:s1+$0x9400] =	vst v26  }
0xc2: {  	s22 =	sadd.s32 $0x200, s22;
	s19 =	sadd.s32 $0x40, s19;
	s11 =	sand.u32 $0x1C00, s15;
	v19 =	vld.idx.msk [tilespmem:v14+s8+$0x0], $0xffff;
	[tilespmem:s4+$0x9400] =	vst v1;
	v1 =	vmov v33  }
0xc3: {  	_ =	sdelay $0x3  }
0xc4: {  	v26 =	vld.idx.msk [tilespmem:v7+s3+$0x0], $0xffff;
	s1 =	sadd.s32 $0x9400, s11  }
0xc5: {  	v31 =	vld.idx.msk [tilespmem:v7+s29+$0x0], $0xffff;
	[tilespmem:s14+$0x9400] =	vst v0;
	s4 =	sor.u32 s28, s1  }
0xc6: {  	v0 =	vld.idx.msk [tilespmem:v7+s30+$0x0], $0xffff;
	s5 =	sor.u32 s12, s1;
	[tilespmem:s4+$0x180] =	vst v29  }
0xc7: {  	v7 =	vld.idx.msk [tilespmem:v12+s9+$0x0], $0xffff;
	s10 =	sor.u32 s10, s1;
	[tilespmem:s5+$0x180] =	vst v24  }
0xc8: {  	v12 =	vld.idx.msk [tilespmem:v13+s30+$0x0], $0xffff;
	[tilespmem:s10+$0x180] =	vst v27  }
0xc9: {  	[tilespmem:s5+$0x100] =	vst v18  }
0xca: {  	[tilespmem:s10+$0x80] =	vst v22  }
0xcb: {  	[tilespmem:s10+$0x0] =	vst v21  }
0xcc: {  	[tilespmem:s5+$0x0] =	vst v3  }
0xcd: {  	[tilespmem:s5+$0x80] =	vst v4  }
0xce: {  	[tilespmem:s4+$0x0] =	vst v26  }
0xcf: {  	v13 =	vld.idx.msk [tilespmem:v14+s30+$0x0], $0xffff;
	s1 =	sor.u32 s13, s1;
	[tilespmem:s4+$0x100] =	vst v0  }
0xd0: {  	s11 =	simm.s32 $0x1;
	v0 =	vld.idx.msk [tilespmem:v14+s2+$0x0], $0xffff;
	[tilespmem:s1+$0x80] =	vst v30  }
0xd1: {  	s11 =	simm.s32 @!p1 $0x0;
	[tilespmem:s1+$0x180] =	vst v25  }
0xd2: {  	s11 =	sshll.u32 s11, $0x6;
	[tilespmem:s1+$0x0] =	vst v28  }
0xd3: {  	s11 =	sadd.s32 s11, s15;
	[tilespmem:s10+$0x100] =	vst v12  }
0xd4: {  	s13 =	sadd.s32 $0x30, s11;
	[tilespmem:s4+$0x80] =	vst v31  }
0xd5: {  	s14 =	sor.u32 $0x200, s13;
	[tilespmem:s1+$0x100] =	vst v13  }
0xd6: {  	s18 =	sor.u32 $0x200, s11;
	s22 =	sadd.s32 $0x20, s11;
	[tilespmem:s14+$0x9400] =	vst v15  }
0xd7: {  	s7 =	sor.u32 $0x200, s22;
	[tilespmem:s18+$0x9400] =	vst v20  }
0xd8: {  	s16 =	sor.u32 $0x280, s13;
	s4 =	sadd.s32 $0x10, s11;
	[tilespmem:s7+$0x9400] =	vst v11  }
0xd9: {  	s19 =	sor.u32 $0x200, s4;
	[tilespmem:s16+$0x9400] =	vst v16  }
0xda: {  	s10 =	sor.u32 $0x280, s22;
	[tilespmem:s19+$0x9400] =	vst v5  }
0xdb: {  	s17 =	sor.u32 $0x300, s13;
	[tilespmem:s10+$0x9400] =	vst v9  }
0xdc: {  	s21 =	sor.u32 $0x280, s4;
	[tilespmem:s17+$0x9400] =	vst v23  }
0xdd: {  	s20 =	sor.u32 $0x380, s13;
	s13 =	sor.u32 s15, s26;
	s15 =	sor.u32 $0x300, s22;
	[tilespmem:s21+$0x9400] =	vst v2  }
0xde: {  	[tilespmem:s15+$0x9400] =	vst v8  }
0xdf: {  	s1 =	sor.u32 $0x380, s22;
	[tilespmem:s20+$0x9400] =	vst v17  }
0xe0: {  	s23 =	sor.u32 $0x280, s11;
	[tilespmem:s1+$0x9400] =	vst v7  }
0xe1: {  	s12 =	sor.u32 $0x300, s11;
	[tilespmem:s23+$0x9400] =	vst v0  }
0xe2: {  	s14 =	sor.u32 $0x380, s13;
	[tilespmem:s12+$0x9400] =	vst v19  }
0xe3: {  	s16 =	sadd.s32 s24, s25;
	[tilespmem:s14+$0x9400] =	vst v6  }
0xe4: {  	s17 =	sshll.u32 s16, $0x11;
	s1 =	rddreg [dreg:$0x17]  }
0xe5: {  	s18 =	sor.u32 $0x300, s4;
	s1 =	sor.u32 s1, s17  }
0xe6: {  	s4 =	sor.u32 $0x380, s4;
	s19 =	rddreg [dreg:$0x2];
	[tilespmem:s18+$0x9400] =	vst v1;
	s1 =	sshrl.u32 s1, $0x3  }
0xe7: {  	s20 =	simm.s32 $0x9400;
	[tilespmem:s4+$0x9400] =	vst v10;
	s1 =	sadd.s32 s19, s1  }
0xe8: {  	[hbm4b:s1+s3] =	stream.linear.scatter [tilespmem:s20], [sflag:$0x5], $0x2000, $0x38;
	[tilespmem:$0x11400] =	vst v63  }
0xe9: {  	p1 =	seq.s32 s6, $0xFF;
	s1 =	rddreg [dreg:$0x12]  }
0xea: {  	s1 =	sadd.s32 @!p1 s25, s1  }
0xeb: {  	s4 =	rddreg [dreg:$0x5];
	s1 =	sshll.u32 @!p1 s1, $0xB  }
0xec: {  	s1 =	sor.u32 @!p1 s4, s1  }
0xed: {  	s5 =	simm.s32 @!p1 $0x8400;
	s4 =	rddreg [dreg:$0x4];
	s1 =	sshrl.u32 @!p1 s1, $0x3  }
0xee: {  	s21 =	simm.s32 $0x2;
	s1 =	sadd.s32 @!p1 s4, s1;
	s4 =	simm.s32 @!p1 $0x0  }
0xef: {  	[tilespmem:s5], [sflag:$0x1] =	stream.linear.gather @!p1 [hbm4b:s1+s4], $0x400, $0x38;
	[tilespmem:$0x11400] =	vst v63  }
0xf0: {  	_ =	swait.ge [sflag:s21], $0x400  }
0xf1: {  	[sflag:s21] =	ssyncset.done $0x0  }
0xf2: {  	s15 =	simm.s32 $0x0;
	s1 =	simm.s32 @!p0 $0x6;
	[sflag:s21] =	ssyncadd.s32 $0xFFFFFC00  }
0xf3: {  	s11 =	sand.u32 $0x40, s15;
	s22 =	sand.u32 $0x380, s15;
	_ =	swait.ge @!p0 [sflag:s1], $0x2000  }
0xf4: {  	s23 =	sor.u32 $0x10, s11;
	s4 =	sor.u32 $0x8800, s22;
	[sflag:s1] =	ssyncset.done @!p0 $0x0  }
0xf5: {  	s26 =	sor.u32 s23, s4;
	[sflag:s1] =	ssyncadd.s32 @!p0 $0xFFFFE000  }
0xf6: {  	s7 =	sor.u32 $0x20, s11;
	v1 =	vld [tilespmem:s26+$0x0]  }
0xf7: {  	s16 =	sor.u32 $0x30, s11;
	s17 =	sor.u32 s7, s4;
	s26 =	simm.s32 $0x40  }
0xf8: {  	s4 =	sor.u32 s16, s4;
	v2 =	vld [tilespmem:s17+$0x0];
	s13 =	sand.u32 $0x40, s26;
	s19 =	sand.u32 $0x380, s26  }
0xf9: {  	s18 =	simm.s32 $0x8800;
	v3 =	vld [tilespmem:s4+$0x0];
	s10 =	sor.u32 $0x10, s13;
	s4 =	sor.u32 $0x8800, s19  }
0xfa: {  	v4 =	vld [tilespmem:s18+$0x0];
	s12 =	sor.u32 $0x20, s13;
	s17 =	sor.u32 s10, s4  }
0xfb: {  	s28 =	sor.u32 $0x30, s13;
	s21 =	sor.u32 s12, s4;
	v7 =	vld [tilespmem:s17+$0x0]  }
0xfc: {  	s4 =	sor.u32 s28, s4;
	v12 =	vld [tilespmem:s21+$0x0]  }
0xfd: {  	v13 =	vld [tilespmem:s4+$0x0]  }
0xfe: {  	v17 =	vld.idx.msk [tilespmem:v1+s2+$0x0], $0xffff  }
0xff: {  	v0 =	vld.idx.msk [tilespmem:v1+s9+$0x0], $0xffff  }
0x100: {  	v8 =	vld.idx.msk [tilespmem:v1+s0+$0x0], $0xffff  }
0x101: {  	v19 =	vld.idx.msk [tilespmem:v2+s3+$0x0], $0xffff  }
0x102: {  	v20 =	vld.idx.msk [tilespmem:v2+s29+$0x0], $0xffff  }
0x103: {  	v26 =	vld.idx.msk [tilespmem:v1+s8+$0x0], $0xffff  }
0x104: {  	v5 =	vld.idx.msk [tilespmem:v2+s30+$0x0], $0xffff  }
0x105: {  	v9 =	vld.idx.msk [tilespmem:v3+s2+$0x0], $0xffff  }
0x106: {  	v6 =	vld.idx.msk [tilespmem:v3+s0+$0x0], $0xffff  }
0x107: {  	v28 =	vld.idx.msk [tilespmem:v4+s9+$0x0], $0xffff  }
0x108: {  	v10 =	vld.idx.msk [tilespmem:v2+s31+$0x0], $0xffff  }
0x109: {  	v23 =	vld.idx.msk [tilespmem:v2+s0+$0x0], $0xffff  }
0x10a: {  	v25 =	vld.idx.msk [tilespmem:v2+s2+$0x0], $0xffff  }
0x10b: {  	v31 =	vld.idx.msk [tilespmem:v2+s8+$0x0], $0xffff  }
0x10c: {  	v11 =	vld.idx.msk [tilespmem:v3+s29+$0x0], $0xffff  }
0x10d: {  	v15 =	vld.idx.msk [tilespmem:v3+s3+$0x0], $0xffff  }
0x10e: {  	v21 =	vld.idx.msk [tilespmem:v3+s9+$0x0], $0xffff  }
0x10f: {  	v14 =	vld.idx.msk [tilespmem:v1+s31+$0x0], $0xffff  }
0x110: {  	v16 =	vld.idx.msk [tilespmem:v3+s31+$0x0], $0xffff  }
0x111: {  	v22 =	vld.idx.msk [tilespmem:v4+s0+$0x0], $0xffff  }
0x112: {  	v18 =	vld.idx.msk [tilespmem:v4+s31+$0x0], $0xffff  }
0x113: {  	v27 =	vld.idx.msk [tilespmem:v3+s8+$0x0], $0xffff  }
0x114: {  	v24 =	vld.idx.msk [tilespmem:v4+s29+$0x0], $0xffff  }
0x115: {  	v32 =	vld.idx.msk [tilespmem:v1+s3+$0x0], $0xffff  }
0x116: {  	s20 =	sand.u32 $0x1C00, s15;
	v29 =	vld.idx.msk [tilespmem:v4+s3+$0x0], $0xffff  }
0x117: {  	s18 =	sadd.s32 $0xB400, s20;
	v33 =	vld.idx.msk [tilespmem:v1+s29+$0x0], $0xffff  }
0x118: {  	s5 =	sor.u32 s23, s18;
	v1 =	vld.idx.msk [tilespmem:v1+s30+$0x0], $0xffff  }
0x119: {  	v30 =	vld.idx.msk [tilespmem:v4+s8+$0x0], $0xffff;
	[tilespmem:s5+$0x180] =	vst v14  }
0x11a: {  	s14 =	sor.u32 s7, s18;
	v63 =	vld.idx.msk [tilespmem:v2+s9+$0x0], $0xffff;
	[tilespmem:s5+$0x0] =	vst v32  }
0x11b: {  	s22 =	sor.u32 s16, s18;
	v34 =	vld.idx.msk [tilespmem:v3+s30+$0x0], $0xffff;
	[tilespmem:s14+$0x180] =	vst v10  }
0x11c: {  	v35 =	vld.idx.msk [tilespmem:v4+s30+$0x0], $0xffff;
	[tilespmem:s22+$0x180] =	vst v16  }
0x11d: {  	v36 =	vld.idx.msk [tilespmem:v4+s2+$0x0], $0xffff;
	[tilespmem:s5+$0x100] =	vst v1  }
0x11e: {  	s11 =	sor.u32 s11, s18;
	v2 =	vld.idx.msk [tilespmem:v7+s2+$0x0], $0xffff;
	[tilespmem:s14+$0x100] =	vst v5  }
0x11f: {  	v3 =	vld.idx.msk [tilespmem:v12+s3+$0x0], $0xffff;
	[tilespmem:s11+$0x80] =	vst v24  }
0x120: {  	s23 =	simm.s32 $0x8840;
	v4 =	vld.idx.msk [tilespmem:v12+s29+$0x0], $0xffff;
	[tilespmem:s22+$0x80] =	vst v11  }
0x121: {  	v14 =	vld [tilespmem:s23+$0x0];
	[tilespmem:s11+$0x180] =	vst v18  }
0x122: {  	p2 =	por $0x0, $0x0;
	v10 =	vld.idx.msk [tilespmem:v7+s9+$0x0], $0xffff;
	[tilespmem:s22+$0x0] =	vst v15  }
0x123: {  	p3 =	por p2, p2;
	s4 =	simm.s32 $0x1;
	v5 =	vld.idx.msk [tilespmem:v7+s0+$0x0], $0xffff;
	[tilespmem:s11+$0x0] =	vst v29  }
0x124: {  	s4 =	simm.s32 @!p3 $0x0;
	v1 =	vld.idx.msk [tilespmem:v7+s8+$0x0], $0xffff;
	[tilespmem:s22+$0x100] =	vst v34  }
0x125: {  	s4 =	sshll.u32 s4, $0x6;
	v18 =	vld.idx.msk [tilespmem:v12+s30+$0x0], $0xffff;
	[tilespmem:s5+$0x80] =	vst v33  }
0x126: {  	s4 =	sadd.s32 $0x0, s4;
	v16 =	vld.idx.msk [tilespmem:v13+s2+$0x0], $0xffff;
	[tilespmem:s11+$0x100] =	vst v35  }
0x127: {  	s7 =	sadd.s32 $0x30, s4;
	v15 =	vld.idx.msk [tilespmem:v13+s0+$0x0], $0xffff;
	[tilespmem:s14+$0x0] =	vst v19  }
0x128: {  	s16 =	sor.u32 $0x200, s7;
	v24 =	vld.idx.msk [tilespmem:v12+s31+$0x0], $0xffff;
	[tilespmem:s14+$0x80] =	vst v20  }
0x129: {  	s19 =	sor.u32 $0x200, s4;
	v11 =	vld.idx.msk [tilespmem:v12+s0+$0x0], $0xffff;
	[tilespmem:s16+$0xB400] =	vst v6  }
0x12a: {  	s17 =	sor.u32 $0x280, s7;
	s11 =	sadd.s32 $0x10, s4;
	v29 =	vld.idx.msk [tilespmem:v7+s31+$0x0], $0xffff;
	[tilespmem:s19+$0xB400] =	vst v22  }
0x12b: {  	s18 =	sor.u32 $0x300, s7;
	s20 =	sor.u32 $0x200, s11;
	v22 =	vld.idx.msk [tilespmem:v13+s29+$0x0], $0xffff;
	[tilespmem:s17+$0xB400] =	vst v9  }
0x12c: {  	s1 =	sor.u32 $0x380, s7;
	s7 =	sor.u32 $0x280, s4;
	s22 =	sadd.s32 $0x20, s4;
	v9 =	vld.idx.msk [tilespmem:v12+s2+$0x0], $0xffff;
	[tilespmem:s20+$0xB400] =	vst v8  }
0x12d: {  	s16 =	sor.u32 $0x200, s22;
	v8 =	vld.idx.msk [tilespmem:v12+s8+$0x0], $0xffff;
	[tilespmem:s7+$0xB400] =	vst v36  }
0x12e: {  	s21 =	sor.u32 $0x280, s11;
	[tilespmem:s16+$0xB400] =	vst v23;
	v23 =	vld.idx.msk [tilespmem:v13+s8+$0x0], $0xffff  }
0x12f: {  	[tilespmem:s21+$0xB400] =	vst v17;
	v17 =	vld.idx.msk [tilespmem:v13+s9+$0x0], $0xffff  }
0x130: {  	[tilespmem:s18+$0xB400] =	vst v27;
	v27 =	vld.idx.msk [tilespmem:v13+s31+$0x0], $0xffff  }
0x131: {  	s17 =	sor.u32 $0x280, s22;
	[tilespmem:s1+$0xB400] =	vst v21;
	v21 =	vld.idx.msk [tilespmem:v13+s3+$0x0], $0xffff  }
0x132: {  	p6 =	por !p2, !p2;
	s4 =	sor.u32 $0x300, s4;
	[tilespmem:s17+$0xB400] =	vst v25;
	v6 =	vld.idx.msk [tilespmem:v14+s9+$0x0], $0xffff  }
0x133: {  	p2 =	por p6, p6;
	p3 =	por !p6, !p6;
	s20 =	sor.u32 $0x300, s22;
	[tilespmem:s4+$0xB400] =	vst v30;
	v20 =	vld.idx.msk [tilespmem:v14+s0+$0x0], $0xffff  }
0x134: {  	s23 =	simm.s32 $0x4;
	s18 =	sor.u32 s15, s15;
	s21 =	sor.u32 $0x300, s11;
	[tilespmem:s20+$0xB400] =	vst v31;
	v25 =	vld.idx.msk [tilespmem:v14+s31+$0x0], $0xffff  }
0x135: {  	s16 =	sor.u32 $0x380, s11;
	s15 =	sor.u32 $0x1, s25;
	s19 =	sor.u32 $0x380, s18;
	[tilespmem:s21+$0xB400] =	vst v26;
	v30 =	vld.idx.msk [tilespmem:v14+s29+$0x0], $0xffff  }
0x136: {  	s17 =	simm.s32 $0x200;
	s1 =	sor.u32 $0x380, s22;
	s22 =	simm.s32 $0x8880;
	[tilespmem:s19+$0xB400] =	vst v28;
	v28 =	vld.idx.msk [tilespmem:v14+s3+$0x0], $0xffff  }
0x137: {  	s11 =	sand.u32 $0x1C00, s17;
	s20 =	simm.s32 $0x80;
	[tilespmem:s1+$0xB400] =	vst v63;
	s19 =	simm.s32 $0x400;
	v19 =	vld.idx.msk [tilespmem:v14+s8+$0x0], $0xffff  }
.LBB2_5:
0x138: {  	s1 =	sand.u32 $0x40, s20;
	s4 =	sand.u32 $0x380, s20;
	s5 =	sadd.s32 $0xB400, s11;
	v26 =	vld.idx.msk [tilespmem:v7+s3+$0x0], $0xffff;
	[tilespmem:s16+$0xB400] =	vst v0;
	v0 =	vmov v10  }
0x139: {  	s23 =	sadd.s32 $0x4, s23;
	s11 =	sor.u32 $0x10, s1;
	s4 =	sor.u32 $0x8800, s4;
	v31 =	vld.idx.msk [tilespmem:v7+s29+$0x0], $0xffff  }
0x13a: {  	s16 =	sor.u32 $0x20, s1;
	s18 =	sor.u32 $0x30, s1;
	s14 =	sor.u32 s11, s4;
	v10 =	vld.idx.msk [tilespmem:v7+s30+$0x0], $0xffff  }
0x13b: {  	p4 =	slt.u32 s23, $0x3C;
	v7 =	vld [tilespmem:s14+$0x0];
	s14 =	sor.u32 s16, s4;
	s4 =	sor.u32 s18, s4  }
0x13c: {  	s7 =	sor.u32 s10, s5;
	s21 =	sor.u32 s12, s5;
	s10 =	smov.u32 s11;
	v32 =	vld [tilespmem:s14+$0x0]  }
0x13d: {  	s12 =	smov.u32 s16;
	v33 =	vld [tilespmem:s4+$0x0];
	[tilespmem:s7+$0x180] =	vst v29  }
0x13e: {  	[tilespmem:s7+$0x0] =	vst v26;
	v26 =	vld.idx.msk [tilespmem:v12+s9+$0x0], $0xffff  }
0x13f: {  	s4 =	sor.u32 s28, s5;
	s28 =	smov.u32 s18;
	[tilespmem:s21+$0x180] =	vst v24;
	v24 =	vld.idx.msk [tilespmem:v13+s30+$0x0], $0xffff  }
0x140: {  	v29 =	vld.idx.msk [tilespmem:v14+s30+$0x0], $0xffff;
	[tilespmem:s4+$0x180] =	vst v27  }
0x141: {  	s5 =	sor.u32 s13, s5;
	s13 =	smov.u32 s1;
	v27 =	vld.idx.msk [tilespmem:v14+s2+$0x0], $0xffff;
	[tilespmem:s7+$0x100] =	vst v10;
	v12 =	vmov v32  }
0x142: {  	v14 =	vld [tilespmem:s22+$0x0];
	[tilespmem:s21+$0x100] =	vst v18;
	v13 =	vmov v33  }
0x143: {  	v32 =	vld.idx.msk [tilespmem:v7+s2+$0x0], $0xffff;
	[tilespmem:s5+$0x80] =	vst v30  }
0x144: {  	s1 =	simm.s32 $0x1;
	v10 =	vld.idx.msk [tilespmem:v7+s9+$0x0], $0xffff;
	[tilespmem:s4+$0x80] =	vst v22  }
0x145: {  	s1 =	simm.s32 @!p2 $0x0;
	p2 =	por p3, p3;
	v22 =	vld.idx.msk [tilespmem:v7+s0+$0x0], $0xffff;
	[tilespmem:s5+$0x180] =	vst v25  }
0x146: {  	s1 =	sshll.u32 s1, $0x6;
	v25 =	vld.idx.msk [tilespmem:v12+s3+$0x0], $0xffff;
	[tilespmem:s4+$0x0] =	vst v21  }
0x147: {  	s16 =	sadd.s32 s1, s17;
	v30 =	vld.idx.msk [tilespmem:v12+s29+$0x0], $0xffff;
	[tilespmem:s5+$0x0] =	vst v28  }
0x148: {  	s11 =	sadd.s32 $0x10, s16;
	s14 =	sadd.s32 $0x20, s16;
	s1 =	sadd.s32 $0x30, s16;
	v33 =	vld.idx.msk [tilespmem:v7+s8+$0x0], $0xffff;
	[tilespmem:s4+$0x100] =	vst v24  }
0x149: {  	s4 =	sor.u32 $0x200, s1;
	v18 =	vld.idx.msk [tilespmem:v12+s30+$0x0], $0xffff;
	[tilespmem:s7+$0x80] =	vst v31  }
0x14a: {  	v21 =	vld.idx.msk [tilespmem:v13+s2+$0x0], $0xffff;
	[tilespmem:s4+$0xB400] =	vst v15  }
0x14b: {  	s4 =	sor.u32 $0x280, s1;
	v15 =	vld.idx.msk [tilespmem:v13+s0+$0x0], $0xffff;
	[tilespmem:s5+$0x100] =	vst v29  }
0x14c: {  	v28 =	vld.idx.msk [tilespmem:v14+s9+$0x0], $0xffff;
	[tilespmem:s4+$0xB400] =	vst v16;
	s4 =	sor.u32 $0x300, s1  }
0x14d: {  	s5 =	sor.u32 $0x200, s16;
	v24 =	vld.idx.msk [tilespmem:v12+s31+$0x0], $0xffff;
	[tilespmem:s4+$0xB400] =	vst v23  }
0x14e: {  	s4 =	sor.u32 $0x200, s11;
	v23 =	vld.idx.msk [tilespmem:v12+s0+$0x0], $0xffff;
	[tilespmem:s5+$0xB400] =	vst v20  }
0x14f: {  	s1 =	sor.u32 $0x380, s1;
	v31 =	vld.idx.msk [tilespmem:v12+s2+$0x0], $0xffff;
	[tilespmem:s4+$0xB400] =	vst v5;
	v5 =	vmov v22  }
0x150: {  	s4 =	sor.u32 $0x280, s11;
	v16 =	vmov v21;
	v34 =	vld.idx.msk [tilespmem:v12+s8+$0x0], $0xffff;
	[tilespmem:s1+$0xB400] =	vst v17  }
0x151: {  	v22 =	vld.idx.msk [tilespmem:v13+s29+$0x0], $0xffff;
	[tilespmem:s4+$0xB400] =	vst v2;
	v2 =	vmov v32  }
0x152: {  	v21 =	vld.idx.msk [tilespmem:v13+s3+$0x0], $0xffff;
	[tilespmem:s21+$0x0] =	vst v3;
	v3 =	vmov v25  }
0x153: {  	s1 =	sor.u32 $0x280, s16;
	v17 =	vld.idx.msk [tilespmem:v13+s9+$0x0], $0xffff;
	[tilespmem:s21+$0x80] =	vst v4;
	v4 =	vmov v30  }
0x154: {  	v29 =	vld.idx.msk [tilespmem:v7+s31+$0x0], $0xffff;
	[tilespmem:s1+$0xB400] =	vst v27;
	s1 =	sor.u32 $0x200, s14  }
0x155: {  	v27 =	vld.idx.msk [tilespmem:v13+s31+$0x0], $0xffff;
	[tilespmem:s1+$0xB400] =	vst v11;
	s1 =	sor.u32 $0x280, s14;
	v11 =	vmov v23  }
0x156: {  	s5 =	sor.u32 s17, s26;
	s17 =	smov.u32 s19;
	s4 =	sor.u32 $0x300, s16;
	v20 =	vld.idx.msk [tilespmem:v14+s0+$0x0], $0xffff;
	[tilespmem:s1+$0xB400] =	vst v9;
	v9 =	vmov v31  }
.Ltmp3:
0x157: {  	s26 =	smov.u32 s20;
	s1 =	sor.u32 $0x380, s5;
	v25 =	vld.idx.msk [tilespmem:v14+s31+$0x0], $0xffff;
	[tilespmem:s4+$0xB400] =	vst v19;
	(pc) =	sbr.rel @p4 .LBB2_5-.Ltmp3, $4  }
0x158: {  	v23 =	vld.idx.msk [tilespmem:v13+s8+$0x0], $0xffff;
	[tilespmem:s1+$0xB400] =	vst v6;
	s1 =	sor.u32 $0x300, s14;
	v6 =	vmov v28  }
0x159: {  	s16 =	sor.u32 $0x380, s11;
	v30 =	vld.idx.msk [tilespmem:v14+s29+$0x0], $0xffff;
	[tilespmem:s1+$0xB400] =	vst v8;
	s1 =	sor.u32 $0x380, s14;
	v8 =	vmov v34  }
0x15a: {  	p3 =	por !p3, !p3;
	s22 =	sadd.s32 $0x40, s22;
	s4 =	sor.u32 $0x300, s11;
	v28 =	vld.idx.msk [tilespmem:v14+s3+$0x0], $0xffff;
	[tilespmem:s1+$0xB400] =	vst v26  }
0x15b: {  	s19 =	sadd.s32 $0x200, s19;
	s20 =	sadd.s32 $0x40, s20;
	s11 =	sand.u32 $0x1C00, s17;
	v19 =	vld.idx.msk [tilespmem:v14+s8+$0x0], $0xffff;
	[tilespmem:s4+$0xB400] =	vst v1;
	v1 =	vmov v33  }
0x15c: {  	_ =	sdelay $0x3  }
0x15d: {  	v26 =	vld.idx.msk [tilespmem:v7+s3+$0x0], $0xffff;
	s1 =	sadd.s32 $0xB400, s11  }
0x15e: {  	v31 =	vld.idx.msk [tilespmem:v7+s29+$0x0], $0xffff;
	[tilespmem:s16+$0xB400] =	vst v0;
	s4 =	sor.u32 s10, s1  }
0x15f: {  	v0 =	vld.idx.msk [tilespmem:v7+s30+$0x0], $0xffff;
	s5 =	sor.u32 s12, s1;
	[tilespmem:s4+$0x180] =	vst v29  }
0x160: {  	v7 =	vld.idx.msk [tilespmem:v12+s9+$0x0], $0xffff;
	s7 =	sor.u32 s28, s1;
	[tilespmem:s5+$0x180] =	vst v24  }
0x161: {  	v12 =	vld.idx.msk [tilespmem:v13+s30+$0x0], $0xffff;
	[tilespmem:s7+$0x180] =	vst v27  }
0x162: {  	[tilespmem:s5+$0x100] =	vst v18  }
0x163: {  	[tilespmem:s7+$0x80] =	vst v22  }
0x164: {  	[tilespmem:s7+$0x0] =	vst v21  }
0x165: {  	[tilespmem:s5+$0x0] =	vst v3  }
0x166: {  	[tilespmem:s5+$0x80] =	vst v4  }
0x167: {  	[tilespmem:s4+$0x0] =	vst v26  }
0x168: {  	v13 =	vld.idx.msk [tilespmem:v14+s30+$0x0], $0xffff;
	s1 =	sor.u32 s13, s1;
	[tilespmem:s4+$0x100] =	vst v0  }
0x169: {  	v0 =	vld.idx.msk [tilespmem:v14+s2+$0x0], $0xffff;
	[tilespmem:s1+$0x80] =	vst v30  }
0x16a: {  	s10 =	simm.s32 $0x1;
	[tilespmem:s1+$0x180] =	vst v25  }
0x16b: {  	s10 =	simm.s32 @!p2 $0x0;
	[tilespmem:s1+$0x0] =	vst v28  }
0x16c: {  	s10 =	sshll.u32 s10, $0x6;
	[tilespmem:s7+$0x100] =	vst v12  }
0x16d: {  	s10 =	sadd.s32 s10, s17;
	[tilespmem:s4+$0x80] =	vst v31  }
0x16e: {  	s22 =	sadd.s32 $0x30, s10;
	[tilespmem:s1+$0x100] =	vst v13;
	s13 =	sor.u32 $0x200, s10  }
0x16f: {  	s4 =	sadd.s32 $0x10, s10;
	s23 =	sor.u32 $0x200, s22;
	[tilespmem:s13+$0xB400] =	vst v20  }
0x170: {  	s19 =	sadd.s32 $0x20, s10;
	s14 =	sor.u32 $0x200, s4;
	[tilespmem:s23+$0xB400] =	vst v15  }
0x171: {  	s21 =	sor.u32 $0x200, s19;
	[tilespmem:s14+$0xB400] =	vst v5  }
0x172: {  	s11 =	sor.u32 $0x280, s22;
	[tilespmem:s21+$0xB400] =	vst v11  }
0x173: {  	s18 =	sor.u32 $0x280, s4;
	[tilespmem:s11+$0xB400] =	vst v16  }
0x174: {  	s12 =	sor.u32 $0x300, s22;
	s16 =	sor.u32 $0x380, s22;
	s22 =	sor.u32 $0x280, s19;
	[tilespmem:s18+$0xB400] =	vst v2  }
0x175: {  	[tilespmem:s22+$0xB400] =	vst v9  }
0x176: {  	[tilespmem:s12+$0xB400] =	vst v23  }
0x177: {  	s20 =	sor.u32 $0x280, s10;
	[tilespmem:s16+$0xB400] =	vst v17  }
0x178: {  	s12 =	sor.u32 $0x300, s19;
	[tilespmem:s20+$0xB400] =	vst v0  }
0x179: {  	s23 =	sor.u32 $0x300, s10;
	[tilespmem:s12+$0xB400] =	vst v8  }
0x17a: {  	s26 =	sor.u32 s17, s26;
	s1 =	sor.u32 $0x380, s19;
	[tilespmem:s23+$0xB400] =	vst v19  }
0x17b: {  	s11 =	sor.u32 $0x380, s26;
	[tilespmem:s1+$0xB400] =	vst v7  }
0x17c: {  	s13 =	sadd.s32 s24, s15;
	[tilespmem:s11+$0xB400] =	vst v6  }
0x17d: {  	s14 =	sshll.u32 s13, $0x11;
	s1 =	rddreg [dreg:$0x17]  }
0x17e: {  	s15 =	sor.u32 $0x300, s4;
	s1 =	sor.u32 s1, s14  }
0x17f: {  	s4 =	sor.u32 $0x380, s4;
	s16 =	rddreg [dreg:$0x2];
	[tilespmem:s15+$0xB400] =	vst v1;
	s1 =	sshrl.u32 s1, $0x3  }
0x180: {  	s17 =	simm.s32 $0xB400;
	[tilespmem:s4+$0xB400] =	vst v10;
	s1 =	sadd.s32 s16, s1  }
0x181: {  	[hbm4b:s1+s3] =	stream.linear.scatter [tilespmem:s17], [sflag:$0x6], $0x2000, $0x38;
	[tilespmem:$0x11400] =	vst v63  }
0x182: {  	s1 =	rddreg [dreg:$0x13]  }
0x183: {  	s1 =	sadd.s32 @!p1 s25, s1  }
0x184: {  	s4 =	rddreg [dreg:$0x5];
	s1 =	sshll.u32 @!p1 s1, $0xB  }
0x185: {  	s1 =	sor.u32 @!p1 s4, s1  }
0x186: {  	s5 =	simm.s32 @!p1 $0x8800;
	s4 =	rddreg [dreg:$0x4];
	s1 =	sshrl.u32 @!p1 s1, $0x3  }
0x187: {  	s18 =	simm.s32 $0x3;
	s1 =	sadd.s32 @!p1 s4, s1;
	s4 =	simm.s32 @!p1 $0x0  }
0x188: {  	[tilespmem:s5], [sflag:$0x2] =	stream.linear.gather @!p1 [hbm4b:s1+s4], $0x400, $0x38;
	[tilespmem:$0x11400] =	vst v63  }
0x189: {  	_ =	swait.ge [sflag:s18], $0x400  }
0x18a: {  	[sflag:s18] =	ssyncset.done $0x0  }
0x18b: {  	s15 =	simm.s32 $0x0;
	s1 =	simm.s32 @!p0 $0x7;
	[sflag:s18] =	ssyncadd.s32 $0xFFFFFC00  }
0x18c: {  	s11 =	sand.u32 $0x40, s15;
	s19 =	sand.u32 $0x380, s15;
	_ =	swait.ge @!p0 [sflag:s1], $0x2000  }
0x18d: {  	s5 =	sor.u32 $0x10, s11;
	s4 =	sor.u32 $0x8C00, s19;
	[sflag:s1] =	ssyncset.done @!p0 $0x0  }
0x18e: {  	s20 =	sor.u32 s5, s4;
	[sflag:s1] =	ssyncadd.s32 @!p0 $0xFFFFE000  }
0x18f: {  	s21 =	sor.u32 $0x20, s11;
	v1 =	vld [tilespmem:s20+$0x0]  }
0x190: {  	s26 =	simm.s32 $0x40;
	s23 =	sor.u32 $0x30, s11;
	s22 =	sor.u32 s21, s4  }
0x191: {  	s13 =	sand.u32 $0x40, s26;
	s16 =	sand.u32 $0x380, s26;
	s4 =	sor.u32 s23, s4;
	v2 =	vld [tilespmem:s22+$0x0]  }
0x192: {  	s10 =	sor.u32 $0x10, s13;
	s14 =	simm.s32 $0x8C00;
	v3 =	vld [tilespmem:s4+$0x0];
	s4 =	sor.u32 $0x8C00, s16  }
0x193: {  	s12 =	sor.u32 $0x20, s13;
	v4 =	vld [tilespmem:s14+$0x0];
	s17 =	sor.u32 s10, s4  }
0x194: {  	s28 =	sor.u32 $0x30, s13;
	s19 =	sor.u32 s12, s4;
	v7 =	vld [tilespmem:s17+$0x0]  }
0x195: {  	s4 =	sor.u32 s28, s4;
	v12 =	vld [tilespmem:s19+$0x0]  }
0x196: {  	v13 =	vld [tilespmem:s4+$0x0]  }
0x197: {  	v17 =	vld.idx.msk [tilespmem:v1+s2+$0x0], $0xffff  }
0x198: {  	v0 =	vld.idx.msk [tilespmem:v1+s9+$0x0], $0xffff  }
0x199: {  	v8 =	vld.idx.msk [tilespmem:v1+s0+$0x0], $0xffff  }
0x19a: {  	v19 =	vld.idx.msk [tilespmem:v2+s3+$0x0], $0xffff  }
0x19b: {  	v20 =	vld.idx.msk [tilespmem:v2+s29+$0x0], $0xffff  }
0x19c: {  	v26 =	vld.idx.msk [tilespmem:v1+s8+$0x0], $0xffff  }
0x19d: {  	v5 =	vld.idx.msk [tilespmem:v2+s30+$0x0], $0xffff  }
0x19e: {  	v9 =	vld.idx.msk [tilespmem:v3+s2+$0x0], $0xffff  }
0x19f: {  	v6 =	vld.idx.msk [tilespmem:v3+s0+$0x0], $0xffff  }
0x1a0: {  	v28 =	vld.idx.msk [tilespmem:v4+s9+$0x0], $0xffff  }
0x1a1: {  	v10 =	vld.idx.msk [tilespmem:v2+s31+$0x0], $0xffff  }
0x1a2: {  	v23 =	vld.idx.msk [tilespmem:v2+s0+$0x0], $0xffff  }
0x1a3: {  	v25 =	vld.idx.msk [tilespmem:v2+s2+$0x0], $0xffff  }
0x1a4: {  	v31 =	vld.idx.msk [tilespmem:v2+s8+$0x0], $0xffff  }
0x1a5: {  	v11 =	vld.idx.msk [tilespmem:v3+s29+$0x0], $0xffff  }
0x1a6: {  	v15 =	vld.idx.msk [tilespmem:v3+s3+$0x0], $0xffff  }
0x1a7: {  	v21 =	vld.idx.msk [tilespmem:v3+s9+$0x0], $0xffff  }
0x1a8: {  	v14 =	vld.idx.msk [tilespmem:v1+s31+$0x0], $0xffff  }
0x1a9: {  	v16 =	vld.idx.msk [tilespmem:v3+s31+$0x0], $0xffff  }
0x1aa: {  	v22 =	vld.idx.msk [tilespmem:v4+s0+$0x0], $0xffff  }
0x1ab: {  	v18 =	vld.idx.msk [tilespmem:v4+s31+$0x0], $0xffff  }
0x1ac: {  	v27 =	vld.idx.msk [tilespmem:v3+s8+$0x0], $0xffff  }
0x1ad: {  	v24 =	vld.idx.msk [tilespmem:v4+s29+$0x0], $0xffff  }
0x1ae: {  	v32 =	vld.idx.msk [tilespmem:v1+s3+$0x0], $0xffff  }
0x1af: {  	s14 =	sand.u32 $0x1C00, s15;
	v29 =	vld.idx.msk [tilespmem:v4+s3+$0x0], $0xffff  }
0x1b0: {  	s18 =	sadd.s32 $0xD400, s14;
	v33 =	vld.idx.msk [tilespmem:v1+s29+$0x0], $0xffff  }
0x1b1: {  	s5 =	sor.u32 s5, s18;
	v1 =	vld.idx.msk [tilespmem:v1+s30+$0x0], $0xffff  }
0x1b2: {  	v30 =	vld.idx.msk [tilespmem:v4+s8+$0x0], $0xffff;
	[tilespmem:s5+$0x180] =	vst v14  }
0x1b3: {  	s14 =	sor.u32 s21, s18;
	v63 =	vld.idx.msk [tilespmem:v2+s9+$0x0], $0xffff;
	[tilespmem:s5+$0x0] =	vst v32  }
0x1b4: {  	s20 =	sor.u32 s23, s18;
	v34 =	vld.idx.msk [tilespmem:v3+s30+$0x0], $0xffff;
	[tilespmem:s14+$0x180] =	vst v10  }
0x1b5: {  	v35 =	vld.idx.msk [tilespmem:v4+s30+$0x0], $0xffff;
	[tilespmem:s20+$0x180] =	vst v16  }
0x1b6: {  	v36 =	vld.idx.msk [tilespmem:v4+s2+$0x0], $0xffff;
	[tilespmem:s5+$0x100] =	vst v1  }
0x1b7: {  	s22 =	sor.u32 s11, s18;
	v2 =	vld.idx.msk [tilespmem:v7+s2+$0x0], $0xffff;
	[tilespmem:s14+$0x100] =	vst v5  }
0x1b8: {  	v3 =	vld.idx.msk [tilespmem:v12+s3+$0x0], $0xffff;
	[tilespmem:s22+$0x80] =	vst v24  }
0x1b9: {  	s21 =	simm.s32 $0x8C40;
	v4 =	vld.idx.msk [tilespmem:v12+s29+$0x0], $0xffff;
	[tilespmem:s20+$0x80] =	vst v11  }
0x1ba: {  	v14 =	vld [tilespmem:s21+$0x0];
	[tilespmem:s22+$0x180] =	vst v18  }
0x1bb: {  	p5 =	por $0x0, $0x0;
	v10 =	vld.idx.msk [tilespmem:v7+s9+$0x0], $0xffff;
	[tilespmem:s20+$0x0] =	vst v15  }
0x1bc: {  	p3 =	por p5, p5;
	s4 =	simm.s32 $0x1;
	v5 =	vld.idx.msk [tilespmem:v7+s0+$0x0], $0xffff;
	[tilespmem:s22+$0x0] =	vst v29  }
0x1bd: {  	s4 =	simm.s32 @!p3 $0x0;
	v1 =	vld.idx.msk [tilespmem:v7+s8+$0x0], $0xffff;
	[tilespmem:s20+$0x100] =	vst v34  }
0x1be: {  	s4 =	sshll.u32 s4, $0x6;
	v18 =	vld.idx.msk [tilespmem:v12+s30+$0x0], $0xffff;
	[tilespmem:s5+$0x80] =	vst v33  }
0x1bf: {  	s4 =	sadd.s32 $0x0, s4;
	v16 =	vld.idx.msk [tilespmem:v13+s2+$0x0], $0xffff;
	[tilespmem:s22+$0x100] =	vst v35  }
0x1c0: {  	s23 =	sadd.s32 $0x30, s4;
	v15 =	vld.idx.msk [tilespmem:v13+s0+$0x0], $0xffff;
	[tilespmem:s14+$0x0] =	vst v19  }
0x1c1: {  	s16 =	sor.u32 $0x200, s23;
	v24 =	vld.idx.msk [tilespmem:v12+s31+$0x0], $0xffff;
	[tilespmem:s14+$0x80] =	vst v20  }
0x1c2: {  	s7 =	sadd.s32 $0x10, s4;
	s19 =	sor.u32 $0x200, s4;
	v11 =	vld.idx.msk [tilespmem:v12+s0+$0x0], $0xffff;
	[tilespmem:s16+$0xD400] =	vst v6  }
0x1c3: {  	s20 =	sor.u32 $0x200, s7;
	v29 =	vld.idx.msk [tilespmem:v7+s31+$0x0], $0xffff;
	[tilespmem:s19+$0xD400] =	vst v22  }
0x1c4: {  	s17 =	sor.u32 $0x280, s23;
	[tilespmem:s20+$0xD400] =	vst v8;
	v8 =	vld.idx.msk [tilespmem:v12+s8+$0x0], $0xffff  }
0x1c5: {  	s21 =	sor.u32 $0x280, s7;
	v22 =	vld.idx.msk [tilespmem:v13+s29+$0x0], $0xffff;
	[tilespmem:s17+$0xD400] =	vst v9  }
0x1c6: {  	s11 =	sor.u32 $0x280, s4;
	s22 =	sadd.s32 $0x20, s4;
	v9 =	vld.idx.msk [tilespmem:v12+s2+$0x0], $0xffff;
	[tilespmem:s21+$0xD400] =	vst v17  }
0x1c7: {  	s16 =	sor.u32 $0x200, s22;
	v17 =	vld.idx.msk [tilespmem:v13+s9+$0x0], $0xffff;
	[tilespmem:s11+$0xD400] =	vst v36  }
0x1c8: {  	s18 =	sor.u32 $0x300, s23;
	[tilespmem:s16+$0xD400] =	vst v23;
	v23 =	vld.idx.msk [tilespmem:v13+s8+$0x0], $0xffff  }
0x1c9: {  	s1 =	sor.u32 $0x380, s23;
	[tilespmem:s18+$0xD400] =	vst v27;
	v27 =	vld.idx.msk [tilespmem:v13+s31+$0x0], $0xffff  }
0x1ca: {  	s17 =	sor.u32 $0x280, s22;
	[tilespmem:s1+$0xD400] =	vst v21;
	v21 =	vld.idx.msk [tilespmem:v13+s3+$0x0], $0xffff  }
0x1cb: {  	p6 =	por !p5, !p5;
	s4 =	sor.u32 $0x300, s4;
	[tilespmem:s17+$0xD400] =	vst v25;
	v6 =	vld.idx.msk [tilespmem:v14+s9+$0x0], $0xffff  }
0x1cc: {  	p2 =	por p6, p6;
	p3 =	por !p6, !p6;
	s21 =	sor.u32 $0x300, s7;
	[tilespmem:s4+$0xD400] =	vst v30;
	v20 =	vld.idx.msk [tilespmem:v14+s0+$0x0], $0xffff  }
0x1cd: {  	s23 =	simm.s32 $0x4;
	s20 =	sor.u32 $0x300, s22;
	s18 =	sor.u32 s15, s15;
	[tilespmem:s21+$0xD400] =	vst v26;
	v25 =	vld.idx.msk [tilespmem:v14+s31+$0x0], $0xffff  }
0x1ce: {  	s16 =	sor.u32 $0x380, s7;
	s15 =	sor.u32 $0x2, s25;
	s19 =	sor.u32 $0x380, s18;
	[tilespmem:s20+$0xD400] =	vst v31;
	v30 =	vld.idx.msk [tilespmem:v14+s29+$0x0], $0xffff  }
0x1cf: {  	s17 =	simm.s32 $0x200;
	s1 =	sor.u32 $0x380, s22;
	s22 =	simm.s32 $0x8C80;
	[tilespmem:s19+$0xD400] =	vst v28;
	v28 =	vld.idx.msk [tilespmem:v14+s3+$0x0], $0xffff  }
0x1d0: {  	s11 =	sand.u32 $0x1C00, s17;
	s20 =	simm.s32 $0x80;
	[tilespmem:s1+$0xD400] =	vst v63;
	s19 =	simm.s32 $0x400;
	v19 =	vld.idx.msk [tilespmem:v14+s8+$0x0], $0xffff  }
.LBB2_7:
0x1d1: {  	s1 =	sand.u32 $0x40, s20;
	s4 =	sand.u32 $0x380, s20;
	s5 =	sadd.s32 $0xD400, s11;
	v26 =	vld.idx.msk [tilespmem:v7+s3+$0x0], $0xffff;
	[tilespmem:s16+$0xD400] =	vst v0;
	v0 =	vmov v10  }
0x1d2: {  	s23 =	sadd.s32 $0x4, s23;
	s7 =	sor.u32 $0x10, s1;
	s4 =	sor.u32 $0x8C00, s4;
	v31 =	vld.idx.msk [tilespmem:v7+s29+$0x0], $0xffff  }
0x1d3: {  	s14 =	sor.u32 $0x20, s1;
	s16 =	sor.u32 $0x30, s1;
	s11 =	sor.u32 s7, s4;
	v10 =	vld.idx.msk [tilespmem:v7+s30+$0x0], $0xffff  }
0x1d4: {  	p4 =	slt.u32 s23, $0x3C;
	v7 =	vld [tilespmem:s11+$0x0];
	s11 =	sor.u32 s14, s4;
	s4 =	sor.u32 s16, s4  }
0x1d5: {  	s18 =	sor.u32 s10, s5;
	s21 =	sor.u32 s12, s5;
	s10 =	smov.u32 s7;
	v32 =	vld [tilespmem:s11+$0x0]  }
0x1d6: {  	s12 =	smov.u32 s14;
	v33 =	vld [tilespmem:s4+$0x0];
	[tilespmem:s18+$0x180] =	vst v29  }
0x1d7: {  	[tilespmem:s18+$0x0] =	vst v26;
	v26 =	vld.idx.msk [tilespmem:v12+s9+$0x0], $0xffff  }
0x1d8: {  	s4 =	sor.u32 s28, s5;
	s28 =	smov.u32 s16;
	[tilespmem:s21+$0x180] =	vst v24;
	v24 =	vld.idx.msk [tilespmem:v13+s30+$0x0], $0xffff  }
0x1d9: {  	v29 =	vld.idx.msk [tilespmem:v14+s30+$0x0], $0xffff;
	[tilespmem:s4+$0x180] =	vst v27  }
0x1da: {  	s5 =	sor.u32 s13, s5;
	s13 =	smov.u32 s1;
	v27 =	vld.idx.msk [tilespmem:v14+s2+$0x0], $0xffff;
	[tilespmem:s18+$0x100] =	vst v10;
	v12 =	vmov v32  }
0x1db: {  	v14 =	vld [tilespmem:s22+$0x0];
	[tilespmem:s21+$0x100] =	vst v18;
	v13 =	vmov v33  }
0x1dc: {  	v32 =	vld.idx.msk [tilespmem:v7+s2+$0x0], $0xffff;
	[tilespmem:s5+$0x80] =	vst v30  }
0x1dd: {  	s1 =	simm.s32 $0x1;
	v10 =	vld.idx.msk [tilespmem:v7+s9+$0x0], $0xffff;
	[tilespmem:s4+$0x80] =	vst v22  }
0x1de: {  	s1 =	simm.s32 @!p2 $0x0;
	p2 =	por p3, p3;
	v22 =	vld.idx.msk [tilespmem:v7+s0+$0x0], $0xffff;
	[tilespmem:s5+$0x180] =	vst v25  }
0x1df: {  	s1 =	sshll.u32 s1, $0x6;
	v25 =	vld.idx.msk [tilespmem:v12+s3+$0x0], $0xffff;
	[tilespmem:s4+$0x0] =	vst v21  }
0x1e0: {  	s16 =	sadd.s32 s1, s17;
	v30 =	vld.idx.msk [tilespmem:v12+s29+$0x0], $0xffff;
	[tilespmem:s5+$0x0] =	vst v28  }
0x1e1: {  	s11 =	sadd.s32 $0x10, s16;
	s14 =	sadd.s32 $0x20, s16;
	s1 =	sadd.s32 $0x30, s16;
	v33 =	vld.idx.msk [tilespmem:v7+s8+$0x0], $0xffff;
	[tilespmem:s4+$0x100] =	vst v24  }
0x1e2: {  	s4 =	sor.u32 $0x200, s1;
	v18 =	vld.idx.msk [tilespmem:v12+s30+$0x0], $0xffff;
	[tilespmem:s18+$0x80] =	vst v31  }
0x1e3: {  	v21 =	vld.idx.msk [tilespmem:v13+s2+$0x0], $0xffff;
	[tilespmem:s4+$0xD400] =	vst v15  }
0x1e4: {  	s4 =	sor.u32 $0x280, s1;
	v15 =	vld.idx.msk [tilespmem:v13+s0+$0x0], $0xffff;
	[tilespmem:s5+$0x100] =	vst v29  }
0x1e5: {  	v28 =	vld.idx.msk [tilespmem:v14+s9+$0x0], $0xffff;
	[tilespmem:s4+$0xD400] =	vst v16;
	s4 =	sor.u32 $0x300, s1  }
0x1e6: {  	s5 =	sor.u32 $0x200, s16;
	v24 =	vld.idx.msk [tilespmem:v12+s31+$0x0], $0xffff;
	[tilespmem:s4+$0xD400] =	vst v23  }
0x1e7: {  	s4 =	sor.u32 $0x200, s11;
	v23 =	vld.idx.msk [tilespmem:v12+s0+$0x0], $0xffff;
	[tilespmem:s5+$0xD400] =	vst v20  }
0x1e8: {  	s1 =	sor.u32 $0x380, s1;
	v31 =	vld.idx.msk [tilespmem:v12+s2+$0x0], $0xffff;
	[tilespmem:s4+$0xD400] =	vst v5;
	v5 =	vmov v22  }
0x1e9: {  	s4 =	sor.u32 $0x280, s11;
	v16 =	vmov v21;
	v34 =	vld.idx.msk [tilespmem:v12+s8+$0x0], $0xffff;
	[tilespmem:s1+$0xD400] =	vst v17  }
0x1ea: {  	v22 =	vld.idx.msk [tilespmem:v13+s29+$0x0], $0xffff;
	[tilespmem:s4+$0xD400] =	vst v2;
	v2 =	vmov v32  }
0x1eb: {  	v21 =	vld.idx.msk [tilespmem:v13+s3+$0x0], $0xffff;
	[tilespmem:s21+$0x0] =	vst v3;
	v3 =	vmov v25  }
0x1ec: {  	s1 =	sor.u32 $0x280, s16;
	v17 =	vld.idx.msk [tilespmem:v13+s9+$0x0], $0xffff;
	[tilespmem:s21+$0x80] =	vst v4;
	v4 =	vmov v30  }
0x1ed: {  	v29 =	vld.idx.msk [tilespmem:v7+s31+$0x0], $0xffff;
	[tilespmem:s1+$0xD400] =	vst v27;
	s1 =	sor.u32 $0x200, s14  }
0x1ee: {  	v27 =	vld.idx.msk [tilespmem:v13+s31+$0x0], $0xffff;
	[tilespmem:s1+$0xD400] =	vst v11;
	s1 =	sor.u32 $0x280, s14;
	v11 =	vmov v23  }
0x1ef: {  	s5 =	sor.u32 s17, s26;
	s17 =	smov.u32 s19;
	s4 =	sor.u32 $0x300, s16;
	v20 =	vld.idx.msk [tilespmem:v14+s0+$0x0], $0xffff;
	[tilespmem:s1+$0xD400] =	vst v9;
	v9 =	vmov v31  }
.Ltmp4:
0x1f0: {  	s26 =	smov.u32 s20;
	s1 =	sor.u32 $0x380, s5;
	v25 =	vld.idx.msk [tilespmem:v14+s31+$0x0], $0xffff;
	[tilespmem:s4+$0xD400] =	vst v19;
	(pc) =	sbr.rel @p4 .LBB2_7-.Ltmp4, $4  }
0x1f1: {  	v23 =	vld.idx.msk [tilespmem:v13+s8+$0x0], $0xffff;
	[tilespmem:s1+$0xD400] =	vst v6;
	s1 =	sor.u32 $0x300, s14;
	v6 =	vmov v28  }
0x1f2: {  	s16 =	sor.u32 $0x380, s11;
	v30 =	vld.idx.msk [tilespmem:v14+s29+$0x0], $0xffff;
	[tilespmem:s1+$0xD400] =	vst v8;
	s1 =	sor.u32 $0x380, s14;
	v8 =	vmov v34  }
0x1f3: {  	p3 =	por !p3, !p3;
	s22 =	sadd.s32 $0x40, s22;
	s4 =	sor.u32 $0x300, s11;
	v28 =	vld.idx.msk [tilespmem:v14+s3+$0x0], $0xffff;
	[tilespmem:s1+$0xD400] =	vst v26  }
0x1f4: {  	s19 =	sadd.s32 $0x200, s19;
	s20 =	sadd.s32 $0x40, s20;
	s11 =	sand.u32 $0x1C00, s17;
	v19 =	vld.idx.msk [tilespmem:v14+s8+$0x0], $0xffff;
	[tilespmem:s4+$0xD400] =	vst v1;
	v1 =	vmov v33  }
0x1f5: {  	_ =	sdelay $0x3  }
0x1f6: {  	v26 =	vld.idx.msk [tilespmem:v7+s3+$0x0], $0xffff;
	s1 =	sadd.s32 $0xD400, s11  }
0x1f7: {  	v31 =	vld.idx.msk [tilespmem:v7+s29+$0x0], $0xffff;
	[tilespmem:s16+$0xD400] =	vst v0;
	s4 =	sor.u32 s10, s1  }
0x1f8: {  	v0 =	vld.idx.msk [tilespmem:v7+s30+$0x0], $0xffff;
	s5 =	sor.u32 s12, s1;
	[tilespmem:s4+$0x180] =	vst v29  }
0x1f9: {  	v7 =	vld.idx.msk [tilespmem:v12+s9+$0x0], $0xffff;
	s7 =	sor.u32 s28, s1;
	[tilespmem:s5+$0x180] =	vst v24  }
0x1fa: {  	v12 =	vld.idx.msk [tilespmem:v13+s30+$0x0], $0xffff;
	[tilespmem:s7+$0x180] =	vst v27  }
0x1fb: {  	[tilespmem:s5+$0x100] =	vst v18  }
0x1fc: {  	[tilespmem:s7+$0x80] =	vst v22  }
0x1fd: {  	[tilespmem:s7+$0x0] =	vst v21  }
0x1fe: {  	[tilespmem:s5+$0x0] =	vst v3  }
0x1ff: {  	[tilespmem:s5+$0x80] =	vst v4  }
0x200: {  	[tilespmem:s4+$0x0] =	vst v26  }
0x201: {  	v13 =	vld.idx.msk [tilespmem:v14+s30+$0x0], $0xffff;
	s1 =	sor.u32 s13, s1;
	[tilespmem:s4+$0x100] =	vst v0  }
0x202: {  	v0 =	vld.idx.msk [tilespmem:v14+s2+$0x0], $0xffff;
	[tilespmem:s1+$0x80] =	vst v30  }
0x203: {  	s10 =	simm.s32 $0x1;
	[tilespmem:s1+$0x180] =	vst v25  }
0x204: {  	s10 =	simm.s32 @!p2 $0x0;
	[tilespmem:s1+$0x0] =	vst v28  }
0x205: {  	s10 =	sshll.u32 s10, $0x6;
	[tilespmem:s7+$0x100] =	vst v12  }
0x206: {  	s10 =	sadd.s32 s10, s17;
	[tilespmem:s4+$0x80] =	vst v31  }
0x207: {  	s22 =	sadd.s32 $0x30, s10;
	[tilespmem:s1+$0x100] =	vst v13;
	s13 =	sor.u32 $0x200, s10  }
0x208: {  	s4 =	sadd.s32 $0x10, s10;
	s23 =	sor.u32 $0x200, s22;
	[tilespmem:s13+$0xD400] =	vst v20  }
0x209: {  	s19 =	sadd.s32 $0x20, s10;
	s14 =	sor.u32 $0x200, s4;
	[tilespmem:s23+$0xD400] =	vst v15  }
0x20a: {  	s21 =	sor.u32 $0x200, s19;
	[tilespmem:s14+$0xD400] =	vst v5  }
0x20b: {  	s11 =	sor.u32 $0x280, s22;
	[tilespmem:s21+$0xD400] =	vst v11  }
0x20c: {  	s18 =	sor.u32 $0x280, s4;
	[tilespmem:s11+$0xD400] =	vst v16  }
0x20d: {  	s12 =	sor.u32 $0x300, s22;
	s16 =	sor.u32 $0x380, s22;
	s22 =	sor.u32 $0x280, s19;
	[tilespmem:s18+$0xD400] =	vst v2  }
0x20e: {  	[tilespmem:s22+$0xD400] =	vst v9  }
0x20f: {  	[tilespmem:s12+$0xD400] =	vst v23  }
0x210: {  	s20 =	sor.u32 $0x280, s10;
	[tilespmem:s16+$0xD400] =	vst v17  }
0x211: {  	s12 =	sor.u32 $0x300, s19;
	[tilespmem:s20+$0xD400] =	vst v0  }
0x212: {  	s23 =	sor.u32 $0x300, s10;
	[tilespmem:s12+$0xD400] =	vst v8  }
0x213: {  	s26 =	sor.u32 s17, s26;
	s1 =	sor.u32 $0x380, s19;
	[tilespmem:s23+$0xD400] =	vst v19  }
0x214: {  	s11 =	sor.u32 $0x380, s26;
	[tilespmem:s1+$0xD400] =	vst v7  }
0x215: {  	s13 =	sadd.s32 s24, s15;
	[tilespmem:s11+$0xD400] =	vst v6  }
0x216: {  	s14 =	sshll.u32 s13, $0x11;
	s1 =	rddreg [dreg:$0x17]  }
0x217: {  	s15 =	sor.u32 $0x300, s4;
	s1 =	sor.u32 s1, s14  }
0x218: {  	s4 =	sor.u32 $0x380, s4;
	s16 =	rddreg [dreg:$0x2];
	[tilespmem:s15+$0xD400] =	vst v1;
	s1 =	sshrl.u32 s1, $0x3  }
0x219: {  	s17 =	simm.s32 $0xD400;
	[tilespmem:s4+$0xD400] =	vst v10;
	s1 =	sadd.s32 s16, s1  }
0x21a: {  	[hbm4b:s1+s3] =	stream.linear.scatter [tilespmem:s17], [sflag:$0x7], $0x2000, $0x38;
	[tilespmem:$0x11400] =	vst v63  }
0x21b: {  	s1 =	rddreg [dreg:$0x14]  }
0x21c: {  	s1 =	sadd.s32 @!p1 s25, s1  }
0x21d: {  	s4 =	rddreg [dreg:$0x5];
	s1 =	sshll.u32 @!p1 s1, $0xB  }
0x21e: {  	s1 =	sor.u32 @!p1 s4, s1  }
0x21f: {  	s5 =	simm.s32 @!p1 $0x8C00;
	s4 =	rddreg [dreg:$0x4];
	s1 =	sshrl.u32 @!p1 s1, $0x3  }
0x220: {  	s18 =	simm.s32 $0x4;
	s1 =	sadd.s32 @!p1 s4, s1;
	s4 =	simm.s32 @!p1 $0x0  }
0x221: {  	[tilespmem:s5], [sflag:$0x3] =	stream.linear.gather @!p1 [hbm4b:s1+s4], $0x400, $0x38;
	[tilespmem:$0x11400] =	vst v63  }
0x222: {  	_ =	swait.ge [sflag:s18], $0x400  }
0x223: {  	[sflag:s18] =	ssyncset.done $0x0  }
0x224: {  	s15 =	simm.s32 $0x0;
	s1 =	simm.s32 @!p0 $0x8;
	[sflag:s18] =	ssyncadd.s32 $0xFFFFFC00  }
0x225: {  	s11 =	sand.u32 $0x40, s15;
	s19 =	sand.u32 $0x380, s15;
	_ =	swait.ge @!p0 [sflag:s1], $0x2000  }
0x226: {  	s5 =	sor.u32 $0x10, s11;
	s4 =	sor.u32 $0x9000, s19;
	[sflag:s1] =	ssyncset.done @!p0 $0x0  }
0x227: {  	s20 =	sor.u32 s5, s4;
	[sflag:s1] =	ssyncadd.s32 @!p0 $0xFFFFE000  }
0x228: {  	s21 =	sor.u32 $0x20, s11;
	v1 =	vld [tilespmem:s20+$0x0]  }
0x229: {  	s26 =	simm.s32 $0x40;
	s23 =	sor.u32 $0x30, s11;
	s22 =	sor.u32 s21, s4  }
0x22a: {  	s13 =	sand.u32 $0x40, s26;
	s16 =	sand.u32 $0x380, s26;
	s4 =	sor.u32 s23, s4;
	v2 =	vld [tilespmem:s22+$0x0]  }
0x22b: {  	s10 =	sor.u32 $0x10, s13;
	s14 =	simm.s32 $0x9000;
	v3 =	vld [tilespmem:s4+$0x0];
	s4 =	sor.u32 $0x9000, s16  }
0x22c: {  	s12 =	sor.u32 $0x20, s13;
	v4 =	vld [tilespmem:s14+$0x0];
	s17 =	sor.u32 s10, s4  }
0x22d: {  	s28 =	sor.u32 $0x30, s13;
	s19 =	sor.u32 s12, s4;
	v7 =	vld [tilespmem:s17+$0x0]  }
0x22e: {  	s4 =	sor.u32 s28, s4;
	v12 =	vld [tilespmem:s19+$0x0]  }
0x22f: {  	v13 =	vld [tilespmem:s4+$0x0]  }
0x230: {  	v17 =	vld.idx.msk [tilespmem:v1+s2+$0x0], $0xffff  }
0x231: {  	v0 =	vld.idx.msk [tilespmem:v1+s9+$0x0], $0xffff  }
0x232: {  	v8 =	vld.idx.msk [tilespmem:v1+s0+$0x0], $0xffff  }
0x233: {  	v19 =	vld.idx.msk [tilespmem:v2+s3+$0x0], $0xffff  }
0x234: {  	v20 =	vld.idx.msk [tilespmem:v2+s29+$0x0], $0xffff  }
0x235: {  	v26 =	vld.idx.msk [tilespmem:v1+s8+$0x0], $0xffff  }
0x236: {  	v5 =	vld.idx.msk [tilespmem:v2+s30+$0x0], $0xffff  }
0x237: {  	v9 =	vld.idx.msk [tilespmem:v3+s2+$0x0], $0xffff  }
0x238: {  	v6 =	vld.idx.msk [tilespmem:v3+s0+$0x0], $0xffff  }
0x239: {  	v28 =	vld.idx.msk [tilespmem:v4+s9+$0x0], $0xffff  }
0x23a: {  	v10 =	vld.idx.msk [tilespmem:v2+s31+$0x0], $0xffff  }
0x23b: {  	v23 =	vld.idx.msk [tilespmem:v2+s0+$0x0], $0xffff  }
0x23c: {  	v25 =	vld.idx.msk [tilespmem:v2+s2+$0x0], $0xffff  }
0x23d: {  	v31 =	vld.idx.msk [tilespmem:v2+s8+$0x0], $0xffff  }
0x23e: {  	v11 =	vld.idx.msk [tilespmem:v3+s29+$0x0], $0xffff  }
0x23f: {  	v15 =	vld.idx.msk [tilespmem:v3+s3+$0x0], $0xffff  }
0x240: {  	v21 =	vld.idx.msk [tilespmem:v3+s9+$0x0], $0xffff  }
0x241: {  	v14 =	vld.idx.msk [tilespmem:v1+s31+$0x0], $0xffff  }
0x242: {  	v16 =	vld.idx.msk [tilespmem:v3+s31+$0x0], $0xffff  }
0x243: {  	v22 =	vld.idx.msk [tilespmem:v4+s0+$0x0], $0xffff  }
0x244: {  	v18 =	vld.idx.msk [tilespmem:v4+s31+$0x0], $0xffff  }
0x245: {  	v27 =	vld.idx.msk [tilespmem:v3+s8+$0x0], $0xffff  }
0x246: {  	v24 =	vld.idx.msk [tilespmem:v4+s29+$0x0], $0xffff  }
0x247: {  	v32 =	vld.idx.msk [tilespmem:v1+s3+$0x0], $0xffff  }
0x248: {  	s14 =	sand.u32 $0x1C00, s15;
	v29 =	vld.idx.msk [tilespmem:v4+s3+$0x0], $0xffff  }
0x249: {  	s18 =	sadd.s32 $0xF400, s14;
	v33 =	vld.idx.msk [tilespmem:v1+s29+$0x0], $0xffff  }
0x24a: {  	s5 =	sor.u32 s5, s18;
	v1 =	vld.idx.msk [tilespmem:v1+s30+$0x0], $0xffff  }
0x24b: {  	v30 =	vld.idx.msk [tilespmem:v4+s8+$0x0], $0xffff;
	[tilespmem:s5+$0x180] =	vst v14  }
0x24c: {  	s14 =	sor.u32 s21, s18;
	v63 =	vld.idx.msk [tilespmem:v2+s9+$0x0], $0xffff;
	[tilespmem:s5+$0x0] =	vst v32  }
0x24d: {  	s20 =	sor.u32 s23, s18;
	v34 =	vld.idx.msk [tilespmem:v3+s30+$0x0], $0xffff;
	[tilespmem:s14+$0x180] =	vst v10  }
0x24e: {  	v35 =	vld.idx.msk [tilespmem:v4+s30+$0x0], $0xffff;
	[tilespmem:s20+$0x180] =	vst v16  }
0x24f: {  	v36 =	vld.idx.msk [tilespmem:v4+s2+$0x0], $0xffff;
	[tilespmem:s5+$0x100] =	vst v1  }
0x250: {  	s22 =	sor.u32 s11, s18;
	v2 =	vld.idx.msk [tilespmem:v7+s2+$0x0], $0xffff;
	[tilespmem:s14+$0x100] =	vst v5  }
0x251: {  	v3 =	vld.idx.msk [tilespmem:v12+s3+$0x0], $0xffff;
	[tilespmem:s22+$0x80] =	vst v24  }
0x252: {  	s21 =	simm.s32 $0x9040;
	v4 =	vld.idx.msk [tilespmem:v12+s29+$0x0], $0xffff;
	[tilespmem:s20+$0x80] =	vst v11  }
0x253: {  	v14 =	vld [tilespmem:s21+$0x0];
	[tilespmem:s22+$0x180] =	vst v18  }
0x254: {  	p5 =	por $0x0, $0x0;
	v10 =	vld.idx.msk [tilespmem:v7+s9+$0x0], $0xffff;
	[tilespmem:s20+$0x0] =	vst v15  }
0x255: {  	p2 =	por p5, p5;
	s4 =	simm.s32 $0x1;
	v5 =	vld.idx.msk [tilespmem:v7+s0+$0x0], $0xffff;
	[tilespmem:s22+$0x0] =	vst v29  }
0x256: {  	s4 =	simm.s32 @!p2 $0x0;
	v1 =	vld.idx.msk [tilespmem:v7+s8+$0x0], $0xffff;
	[tilespmem:s20+$0x100] =	vst v34  }
0x257: {  	s4 =	sshll.u32 s4, $0x6;
	v18 =	vld.idx.msk [tilespmem:v12+s30+$0x0], $0xffff;
	[tilespmem:s5+$0x80] =	vst v33  }
0x258: {  	s4 =	sadd.s32 $0x0, s4;
	v16 =	vld.idx.msk [tilespmem:v13+s2+$0x0], $0xffff;
	[tilespmem:s22+$0x100] =	vst v35  }
0x259: {  	s23 =	sadd.s32 $0x30, s4;
	v15 =	vld.idx.msk [tilespmem:v13+s0+$0x0], $0xffff;
	[tilespmem:s14+$0x0] =	vst v19  }
0x25a: {  	s16 =	sor.u32 $0x200, s23;
	v24 =	vld.idx.msk [tilespmem:v12+s31+$0x0], $0xffff;
	[tilespmem:s14+$0x80] =	vst v20  }
0x25b: {  	s7 =	sadd.s32 $0x10, s4;
	s19 =	sor.u32 $0x200, s4;
	v11 =	vld.idx.msk [tilespmem:v12+s0+$0x0], $0xffff;
	[tilespmem:s16+$0xF400] =	vst v6  }
0x25c: {  	s20 =	sor.u32 $0x200, s7;
	v29 =	vld.idx.msk [tilespmem:v7+s31+$0x0], $0xffff;
	[tilespmem:s19+$0xF400] =	vst v22  }
0x25d: {  	s17 =	sor.u32 $0x280, s23;
	[tilespmem:s20+$0xF400] =	vst v8;
	v8 =	vld.idx.msk [tilespmem:v12+s8+$0x0], $0xffff  }
0x25e: {  	s21 =	sor.u32 $0x280, s7;
	v22 =	vld.idx.msk [tilespmem:v13+s29+$0x0], $0xffff;
	[tilespmem:s17+$0xF400] =	vst v9  }
0x25f: {  	s11 =	sor.u32 $0x280, s4;
	s22 =	sadd.s32 $0x20, s4;
	v9 =	vld.idx.msk [tilespmem:v12+s2+$0x0], $0xffff;
	[tilespmem:s21+$0xF400] =	vst v17  }
0x260: {  	s16 =	sor.u32 $0x200, s22;
	v17 =	vld.idx.msk [tilespmem:v13+s9+$0x0], $0xffff;
	[tilespmem:s11+$0xF400] =	vst v36  }
0x261: {  	s18 =	sor.u32 $0x300, s23;
	[tilespmem:s16+$0xF400] =	vst v23;
	v23 =	vld.idx.msk [tilespmem:v13+s8+$0x0], $0xffff  }
0x262: {  	s1 =	sor.u32 $0x380, s23;
	[tilespmem:s18+$0xF400] =	vst v27;
	v27 =	vld.idx.msk [tilespmem:v13+s31+$0x0], $0xffff  }
0x263: {  	s17 =	sor.u32 $0x280, s22;
	[tilespmem:s1+$0xF400] =	vst v21;
	v21 =	vld.idx.msk [tilespmem:v13+s3+$0x0], $0xffff  }
0x264: {  	p6 =	por !p5, !p5;
	s4 =	sor.u32 $0x300, s4;
	[tilespmem:s17+$0xF400] =	vst v25;
	v6 =	vld.idx.msk [tilespmem:v14+s9+$0x0], $0xffff  }
0x265: {  	p0 =	por p6, p6;
	p2 =	por !p6, !p6;
	s21 =	sor.u32 $0x300, s7;
	[tilespmem:s4+$0xF400] =	vst v30;
	v20 =	vld.idx.msk [tilespmem:v14+s0+$0x0], $0xffff  }
0x266: {  	s23 =	simm.s32 $0x4;
	s20 =	sor.u32 $0x300, s22;
	s18 =	sor.u32 s15, s15;
	[tilespmem:s21+$0xF400] =	vst v26;
	v25 =	vld.idx.msk [tilespmem:v14+s31+$0x0], $0xffff  }
0x267: {  	s16 =	sor.u32 $0x380, s7;
	s15 =	sor.u32 $0x3, s25;
	s19 =	sor.u32 $0x380, s18;
	[tilespmem:s20+$0xF400] =	vst v31;
	v30 =	vld.idx.msk [tilespmem:v14+s29+$0x0], $0xffff  }
0x268: {  	s17 =	simm.s32 $0x200;
	s1 =	sor.u32 $0x380, s22;
	s22 =	simm.s32 $0x9080;
	[tilespmem:s19+$0xF400] =	vst v28;
	v28 =	vld.idx.msk [tilespmem:v14+s3+$0x0], $0xffff  }
0x269: {  	s11 =	sand.u32 $0x1C00, s17;
	s20 =	simm.s32 $0x80;
	[tilespmem:s1+$0xF400] =	vst v63;
	s19 =	simm.s32 $0x400;
	v19 =	vld.idx.msk [tilespmem:v14+s8+$0x0], $0xffff  }
.LBB2_9:
0x26a: {  	s1 =	sand.u32 $0x40, s20;
	s4 =	sand.u32 $0x380, s20;
	s5 =	sadd.s32 $0xF400, s11;
	v26 =	vld.idx.msk [tilespmem:v7+s3+$0x0], $0xffff;
	[tilespmem:s16+$0xF400] =	vst v0;
	v0 =	vmov v10  }
0x26b: {  	s23 =	sadd.s32 $0x4, s23;
	s7 =	sor.u32 $0x10, s1;
	s4 =	sor.u32 $0x9000, s4;
	v31 =	vld.idx.msk [tilespmem:v7+s29+$0x0], $0xffff  }
0x26c: {  	s14 =	sor.u32 $0x20, s1;
	s16 =	sor.u32 $0x30, s1;
	s11 =	sor.u32 s7, s4;
	v10 =	vld.idx.msk [tilespmem:v7+s30+$0x0], $0xffff  }
0x26d: {  	p3 =	slt.u32 s23, $0x3C;
	v7 =	vld [tilespmem:s11+$0x0];
	s11 =	sor.u32 s14, s4;
	s4 =	sor.u32 s16, s4  }
0x26e: {  	s18 =	sor.u32 s10, s5;
	s21 =	sor.u32 s12, s5;
	s10 =	smov.u32 s7;
	v32 =	vld [tilespmem:s11+$0x0]  }
0x26f: {  	s12 =	smov.u32 s14;
	v33 =	vld [tilespmem:s4+$0x0];
	[tilespmem:s18+$0x180] =	vst v29  }
0x270: {  	[tilespmem:s18+$0x0] =	vst v26;
	v26 =	vld.idx.msk [tilespmem:v12+s9+$0x0], $0xffff  }
0x271: {  	s4 =	sor.u32 s28, s5;
	s28 =	smov.u32 s16;
	[tilespmem:s21+$0x180] =	vst v24;
	v24 =	vld.idx.msk [tilespmem:v13+s30+$0x0], $0xffff  }
0x272: {  	v29 =	vld.idx.msk [tilespmem:v14+s30+$0x0], $0xffff;
	[tilespmem:s4+$0x180] =	vst v27  }
0x273: {  	s5 =	sor.u32 s13, s5;
	s13 =	smov.u32 s1;
	v27 =	vld.idx.msk [tilespmem:v14+s2+$0x0], $0xffff;
	[tilespmem:s18+$0x100] =	vst v10;
	v12 =	vmov v32  }
0x274: {  	v14 =	vld [tilespmem:s22+$0x0];
	[tilespmem:s21+$0x100] =	vst v18;
	v13 =	vmov v33  }
0x275: {  	v32 =	vld.idx.msk [tilespmem:v7+s2+$0x0], $0xffff;
	[tilespmem:s5+$0x80] =	vst v30  }
0x276: {  	s1 =	simm.s32 $0x1;
	v10 =	vld.idx.msk [tilespmem:v7+s9+$0x0], $0xffff;
	[tilespmem:s4+$0x80] =	vst v22  }
0x277: {  	s1 =	simm.s32 @!p0 $0x0;
	p0 =	por p2, p2;
	v22 =	vld.idx.msk [tilespmem:v7+s0+$0x0], $0xffff;
	[tilespmem:s5+$0x180] =	vst v25  }
0x278: {  	s1 =	sshll.u32 s1, $0x6;
	v25 =	vld.idx.msk [tilespmem:v12+s3+$0x0], $0xffff;
	[tilespmem:s4+$0x0] =	vst v21  }
0x279: {  	s16 =	sadd.s32 s1, s17;
	v30 =	vld.idx.msk [tilespmem:v12+s29+$0x0], $0xffff;
	[tilespmem:s5+$0x0] =	vst v28  }
0x27a: {  	s11 =	sadd.s32 $0x10, s16;
	s14 =	sadd.s32 $0x20, s16;
	s1 =	sadd.s32 $0x30, s16;
	v33 =	vld.idx.msk [tilespmem:v7+s8+$0x0], $0xffff;
	[tilespmem:s4+$0x100] =	vst v24  }
0x27b: {  	s4 =	sor.u32 $0x200, s1;
	v18 =	vld.idx.msk [tilespmem:v12+s30+$0x0], $0xffff;
	[tilespmem:s18+$0x80] =	vst v31  }
0x27c: {  	v21 =	vld.idx.msk [tilespmem:v13+s2+$0x0], $0xffff;
	[tilespmem:s4+$0xF400] =	vst v15  }
0x27d: {  	s4 =	sor.u32 $0x280, s1;
	v15 =	vld.idx.msk [tilespmem:v13+s0+$0x0], $0xffff;
	[tilespmem:s5+$0x100] =	vst v29  }
0x27e: {  	v28 =	vld.idx.msk [tilespmem:v14+s9+$0x0], $0xffff;
	[tilespmem:s4+$0xF400] =	vst v16;
	s4 =	sor.u32 $0x300, s1  }
0x27f: {  	s5 =	sor.u32 $0x200, s16;
	v24 =	vld.idx.msk [tilespmem:v12+s31+$0x0], $0xffff;
	[tilespmem:s4+$0xF400] =	vst v23  }
0x280: {  	s4 =	sor.u32 $0x200, s11;
	v23 =	vld.idx.msk [tilespmem:v12+s0+$0x0], $0xffff;
	[tilespmem:s5+$0xF400] =	vst v20  }
0x281: {  	s1 =	sor.u32 $0x380, s1;
	v31 =	vld.idx.msk [tilespmem:v12+s2+$0x0], $0xffff;
	[tilespmem:s4+$0xF400] =	vst v5;
	v5 =	vmov v22  }
0x282: {  	s4 =	sor.u32 $0x280, s11;
	v16 =	vmov v21;
	v34 =	vld.idx.msk [tilespmem:v12+s8+$0x0], $0xffff;
	[tilespmem:s1+$0xF400] =	vst v17  }
0x283: {  	v22 =	vld.idx.msk [tilespmem:v13+s29+$0x0], $0xffff;
	[tilespmem:s4+$0xF400] =	vst v2;
	v2 =	vmov v32  }
0x284: {  	v21 =	vld.idx.msk [tilespmem:v13+s3+$0x0], $0xffff;
	[tilespmem:s21+$0x0] =	vst v3;
	v3 =	vmov v25  }
0x285: {  	s1 =	sor.u32 $0x280, s16;
	v17 =	vld.idx.msk [tilespmem:v13+s9+$0x0], $0xffff;
	[tilespmem:s21+$0x80] =	vst v4;
	v4 =	vmov v30  }
0x286: {  	v29 =	vld.idx.msk [tilespmem:v7+s31+$0x0], $0xffff;
	[tilespmem:s1+$0xF400] =	vst v27;
	s1 =	sor.u32 $0x200, s14  }
0x287: {  	v27 =	vld.idx.msk [tilespmem:v13+s31+$0x0], $0xffff;
	[tilespmem:s1+$0xF400] =	vst v11;
	s1 =	sor.u32 $0x280, s14;
	v11 =	vmov v23  }
0x288: {  	s5 =	sor.u32 s17, s26;
	s17 =	smov.u32 s19;
	s4 =	sor.u32 $0x300, s16;
	v20 =	vld.idx.msk [tilespmem:v14+s0+$0x0], $0xffff;
	[tilespmem:s1+$0xF400] =	vst v9;
	v9 =	vmov v31  }
.Ltmp5:
0x289: {  	s26 =	smov.u32 s20;
	s1 =	sor.u32 $0x380, s5;
	v25 =	vld.idx.msk [tilespmem:v14+s31+$0x0], $0xffff;
	[tilespmem:s4+$0xF400] =	vst v19;
	(pc) =	sbr.rel @p3 .LBB2_9-.Ltmp5, $4  }
0x28a: {  	v23 =	vld.idx.msk [tilespmem:v13+s8+$0x0], $0xffff;
	[tilespmem:s1+$0xF400] =	vst v6;
	s1 =	sor.u32 $0x300, s14;
	v6 =	vmov v28  }
0x28b: {  	s16 =	sor.u32 $0x380, s11;
	v30 =	vld.idx.msk [tilespmem:v14+s29+$0x0], $0xffff;
	[tilespmem:s1+$0xF400] =	vst v8;
	s1 =	sor.u32 $0x380, s14;
	v8 =	vmov v34  }
0x28c: {  	p2 =	por !p2, !p2;
	s22 =	sadd.s32 $0x40, s22;
	s4 =	sor.u32 $0x300, s11;
	v28 =	vld.idx.msk [tilespmem:v14+s3+$0x0], $0xffff;
	[tilespmem:s1+$0xF400] =	vst v26  }
0x28d: {  	s19 =	sadd.s32 $0x200, s19;
	s20 =	sadd.s32 $0x40, s20;
	s11 =	sand.u32 $0x1C00, s17;
	v19 =	vld.idx.msk [tilespmem:v14+s8+$0x0], $0xffff;
	[tilespmem:s4+$0xF400] =	vst v1;
	v1 =	vmov v33  }
0x28e: {  	_ =	sdelay $0x3  }
0x28f: {  	v26 =	vld.idx.msk [tilespmem:v7+s3+$0x0], $0xffff;
	s1 =	sadd.s32 $0xF400, s11  }
0x290: {  	v31 =	vld.idx.msk [tilespmem:v7+s29+$0x0], $0xffff;
	[tilespmem:s16+$0xF400] =	vst v0;
	s4 =	sor.u32 s10, s1  }
0x291: {  	v59 =	vld.idx.msk [tilespmem:v7+s30+$0x0], $0xffff;
	s5 =	sor.u32 s12, s1;
	[tilespmem:s4+$0x180] =	vst v29  }
0x292: {  	v60 =	vld.idx.msk [tilespmem:v12+s9+$0x0], $0xffff;
	s7 =	sor.u32 s28, s1;
	[tilespmem:s5+$0x180] =	vst v24  }
0x293: {  	v61 =	vld.idx.msk [tilespmem:v13+s30+$0x0], $0xffff;
	[tilespmem:s7+$0x180] =	vst v27  }
0x294: {  	v62 =	vld.idx.msk [tilespmem:v14+s30+$0x0], $0xffff;
	s1 =	sor.u32 s13, s1;
	[tilespmem:s5+$0x100] =	vst v18  }
0x295: {  	v63 =	vld.idx.msk [tilespmem:v14+s2+$0x0], $0xffff;
	[tilespmem:s1+$0x80] =	vst v30  }
0x296: {  	[tilespmem:s7+$0x80] =	vst v22  }
0x297: {  	[tilespmem:s1+$0x180] =	vst v25  }
0x298: {  	[tilespmem:s7+$0x0] =	vst v21  }
0x299: {  	[tilespmem:s5+$0x0] =	vst v3  }
0x29a: {  	[tilespmem:s5+$0x80] =	vst v4  }
0x29b: {  	[tilespmem:s1+$0x0] =	vst v28  }
0x29c: {  	s10 =	simm.s32 $0x1;
	[tilespmem:s4+$0x0] =	vst v26  }
0x29d: {  	s10 =	simm.s32 @!p0 $0x0;
	[tilespmem:s4+$0x100] =	vst v59  }
0x29e: {  	s10 =	sshll.u32 s10, $0x6;
	[tilespmem:s7+$0x100] =	vst v61  }
0x29f: {  	s10 =	sadd.s32 s10, s17;
	[tilespmem:s4+$0x80] =	vst v31  }
0x2a0: {  	s16 =	sadd.s32 $0x30, s10;
	[tilespmem:s1+$0x100] =	vst v62;
	s21 =	sor.u32 $0x200, s10  }
0x2a1: {  	s4 =	sadd.s32 $0x10, s10;
	s18 =	sor.u32 $0x200, s16;
	[tilespmem:s21+$0xF400] =	vst v20  }
0x2a2: {  	s22 =	sor.u32 $0x200, s4;
	[tilespmem:s18+$0xF400] =	vst v15  }
0x2a3: {  	s11 =	sadd.s32 $0x20, s10;
	s12 =	sor.u32 $0x280, s10;
	[tilespmem:s22+$0xF400] =	vst v5  }
0x2a4: {  	s13 =	sor.u32 $0x200, s11;
	[tilespmem:s12+$0xF400] =	vst v63  }
0x2a5: {  	s19 =	sor.u32 $0x280, s16;
	[tilespmem:s13+$0xF400] =	vst v11  }
0x2a6: {  	s28 =	sor.u32 $0x280, s4;
	[tilespmem:s19+$0xF400] =	vst v16  }
0x2a7: {  	s14 =	sor.u32 $0x280, s11;
	[tilespmem:s28+$0xF400] =	vst v2  }
0x2a8: {  	s20 =	sor.u32 $0x300, s16;
	s23 =	sor.u32 $0x380, s16;
	s16 =	sor.u32 $0x300, s10;
	[tilespmem:s14+$0xF400] =	vst v9  }
0x2a9: {  	s18 =	sor.u32 s17, s26;
	[tilespmem:s16+$0xF400] =	vst v19  }
0x2aa: {  	s19 =	sor.u32 $0x380, s18;
	[tilespmem:s20+$0xF400] =	vst v23  }
0x2ab: {  	[tilespmem:s19+$0xF400] =	vst v6  }
0x2ac: {  	s20 =	sor.u32 $0x300, s11;
	[tilespmem:s23+$0xF400] =	vst v17  }
0x2ad: {  	s1 =	sor.u32 $0x380, s11;
	[tilespmem:s20+$0xF400] =	vst v8  }
0x2ae: {  	s21 =	sadd.s32 s24, s15;
	[tilespmem:s1+$0xF400] =	vst v60  }
.Ltmp6:
0x2af: {  	s22 =	sshll.u32 s21, $0x11;
	s1 =	rddreg [dreg:$0x17];
	(pc) =	sbr.rel @p1 .LBB2_12-.Ltmp6, $4  }
0x2b0: {  	s23 =	sor.u32 $0x300, s4;
	s1 =	sor.u32 s1, s22  }
0x2b1: {  	s26 =	rddreg [dreg:$0x2];
	s4 =	sor.u32 $0x380, s4;
	[tilespmem:s23+$0xF400] =	vst v1;
	s1 =	sshrl.u32 s1, $0x3  }
0x2b2: {  	s28 =	simm.s32 $0xF400;
	[tilespmem:s4+$0xF400] =	vst v10;
	s1 =	sadd.s32 s26, s1  }
0x2b3: {  	[hbm4b:s1+s3] =	stream.linear.scatter [tilespmem:s28], [sflag:$0x8], $0x2000, $0x38;
	[tilespmem:$0x11400] =	vst v63  }
0x2b4: {  	s1 =	rddreg [dreg:$0x15]  }
0x2b5: {  	s1 =	sadd.s32 s25, s1  }
.Ltmp7:
0x2b6: {  	s4 =	rddreg [dreg:$0x5];
	s1 =	sshll.u32 s1, $0xB;
	(pc) =	sbr.rel .LBB2_2-.Ltmp7, $4  }
0x2b7: {  	s1 =	sor.u32 s4, s1  }
0x2b8: {  	s26 =	rddreg [dreg:$0x4];
	s1 =	sshrl.u32 s1, $0x3  }
0x2b9: {  	s28 =	simm.s32 $0x9000;
	s6 =	sadd.s32 $0x1, s6;
	s1 =	sadd.s32 s26, s1  }
0x2ba: {  	[tilespmem:s28], [sflag:$0x4] =	stream.linear.gather [hbm4b:s1+s3], $0x400, $0x38;
	[tilespmem:$0x11400] =	vst v63  }
.LBB2_13:
0x2bb: {  	_ =	sfence.sel $0x180000  }
0x2bc: {  	[bflag:$0x0] =	sbarrier.arrive $0xFFFF  }
0x2bd: {  	_ =	strace $0x90000047  }
0x2be: {  	s0 =	stileid.u32;
	[bflag:$0x2] =	sbarrier.arrive $0xFFFF  }
0x2bf: {  	p0 =	sne.s32 s0, $0x0;
	s0 =	rddreg [dreg:$0x3]  }
0x2c0: {  	s0 =	sadd.s32 @!p0 $0x100000, s0  }
0x2c1: {  	[sflag:s0] =	ssyncadd.tile.s32 @!p0 $0x1;
	_ =	shalt  }
.Lfunc_end2:
_tile_overlayer_lowered:
.L_overlay_start_2:
0x2c2: {  	(tag) =	ssettag $0x2  }
0x2c3: {  	s0 =	rddreg [dreg:$0x0];
	s2 =	stileid.u32  }
0x2c4: {  	s1 =	rddreg [dreg:$0x1];
	p0 =	sne.s32 s2, $0x0  }
0x2c5: {  	s3 =	rddreg [dreg:$0x2];
	[bflag:$0x3] =	sbarrier.arrive $0xFFFF;
	s2 =	simm.s32 @!p0 $0x1C09  }
0x2c6: {  	[timem:s3], [sflag:s2] =	dma.local @!p0 [hbm:s0], s1  }
0x2c7: {  	s0 =	simm.s32 @!p0 $0x9  }
0x2c8: {  	_ =	swait.ge @!p0 [sflag:s0], s1  }
0x2c9: {  	s1 =	ssub.s32 @!p0 $0x0, s1;
	[sflag:s0] =	ssyncset.done @!p0 $0x0  }
0x2ca: {  	[sflag:s0] =	ssyncadd.s32 @!p0 s1  }
0x2cb: {  	[bflag:$0x3] =	sbarrier.arrive $0xFFFF  }
0x2cc: {  	_ =	shalt  }

</sc_bundles>
